<compile_context>
chip_gen: v7x
topology: tpu7x:2x2x1
jax: 0.10.2.dev20260603
libtpu: 0.0.44.dev20260713+nightly
codegen_flags: <defaults>
</compile_context>

<pallas_src>
import functools

import jax
import jax.numpy as jnp
from jax import lax
from jax.experimental import pallas as pl
from jax.experimental.pallas import tpu as pltpu
from jax.experimental.pallas import tpu_sc as plsc

D = 128
NUM_CORES = 2
NUM_SUBCORES = 16
NW = NUM_CORES * NUM_SUBCORES
NBUF = 6
PRIME = 3


@functools.lru_cache(maxsize=None)
def _make_kernel(b_total: int, f_total: int):
    b_per_w = b_total // NW
    mesh = plsc.VectorSubcoreMesh(
        core_axis_name="c",
        subcore_axis_name="s",
        num_cores=NUM_CORES,
        num_subcores=NUM_SUBCORES,
    )

    @functools.partial(
        pl.kernel,
        out_type=jax.ShapeDtypeStruct((f_total, b_total, D), jnp.float32),
        mesh=mesh,
        scratch_types=[
            pltpu.VMEM((f_total, b_per_w), jnp.int32),
            pltpu.VMEM((NBUF, b_per_w, D), jnp.float32),
            pltpu.SemaphoreType.DMA,
            pltpu.SemaphoreType.DMA,
            pltpu.SemaphoreType.DMA,
        ],
    )
    def emb(xt_hbm, w_hbm, out_hbm, idx_v, bufs, gsem, ssem, stsem):
        wid = lax.axis_index("s") * NUM_CORES + lax.axis_index("c")
        b0 = wid * b_per_w

        for f in range(f_total):
            pltpu.async_copy(xt_hbm.at[f, pl.ds(b0, b_per_w)], idx_v.at[f], stsem)
        for f in range(f_total):
            pltpu.make_async_copy(
                xt_hbm.at[0, pl.ds(b0, b_per_w)], idx_v.at[0], stsem
            ).wait()

        def gather(f, buf):
            pltpu.async_copy(w_hbm.at[idx_v.at[f]], buf, gsem)

        def gather_wait(f, buf):
            pltpu.make_async_copy(w_hbm.at[idx_v.at[f]], buf, gsem).wait()

        def drain_one():
            pltpu.make_async_copy(
                bufs.at[0], out_hbm.at[0, pl.ds(0, b_per_w)], ssem
            ).wait()

        for f in range(PRIME):
            gather(f, bufs.at[f])

        def body(f, carry):
            buf = bufs.at[lax.rem(f, NBUF)]
            gather_wait(f, buf)
            pltpu.async_copy(buf, out_hbm.at[f, pl.ds(b0, b_per_w)], ssem)

            @pl.when(f >= NBUF - PRIME)
            def _drain():
                drain_one()

            @pl.when(f + PRIME < f_total)
            def _next():
                fn = f + PRIME
                gather(fn, bufs.at[lax.rem(fn, NBUF)])

            return carry

        lax.fori_loop(0, f_total, body, 0)

        for _ in range(PRIME):
            drain_one()

    return emb


def kernel(x, weight):
    b, f = x.shape
    xt = jnp.transpose(x).astype(jnp.int32)
    out = _make_kernel(b, f)(xt, weight)
    return jnp.transpose(out, (1, 0, 2))

# --- scband reference (transcript-rebuilt; emitter-appended) ---
"""Pipeline reference for scband-custom-embedding-76063870812451 (READ-ONLY COPY).

The authoritative reference and input builder live on the scoring server;
editing this copy changes nothing except your own understanding.
"""

import jax, jax.numpy as jnp
import numpy as np
import math

NUM_EMBEDDINGS = 100000
EMBEDDING_DIM = 128

def setup_inputs(seed: int = 0) -> dict:
    key = jax.random.key(seed)
    k_idx, k_w = jax.random.split(key)
    x = jax.random.randint(k_idx, (4096, 26), 0, NUM_EMBEDDINGS, dtype=jnp.int64 if jax.config.jax_enable_x64 else jnp.int32)
    scale = math.sqrt(1.0 / NUM_EMBEDDINGS)
    weight = jax.random.uniform(k_w, (NUM_EMBEDDINGS, EMBEDDING_DIM), dtype=jnp.float32, minval=-scale, maxval=scale)
    return {"x": x, "weight": weight}

def reference(x, weight):
    # CustomEmbedding.forward: self.weight[x]
    return jnp.take(weight, x, axis=0)

if __name__ == "__main__":
    import jax
    _d = setup_inputs()
    print(jax.jit(kernel)(*tuple(_d.values())))

</pallas_src>

<mosaic_0001>
#map = affine_map<(d0, d1) -> (0, 0)>
#map1 = affine_map<(d0, d1) -> (0, 0, 0)>
module attributes {stable_mosaic.version = 14 : i64} {
  func.func @emb(%arg0: i32, %arg1: i32, %arg2: memref<26x4096xi32, #tpu.memory_space<hbm>>, %arg3: memref<100000x128xf32, #tpu.memory_space<hbm>>, %arg4: memref<26x4096x128xf32, #tpu.memory_space<hbm>>, %arg5: memref<26x128xi32, #tpu.memory_space<vmem>>, %arg6: memref<6x128x128xf32, #tpu.memory_space<vmem>>, %arg7: memref<!tpu.dma_semaphore, #tpu.memory_space<semaphore_mem>>, %arg8: memref<!tpu.dma_semaphore, #tpu.memory_space<semaphore_mem>>, %arg9: memref<!tpu.dma_semaphore, #tpu.memory_space<semaphore_mem>>) attributes {dimension_semantics = [#tpu.dimension_semantics<core_parallel>, #tpu.dimension_semantics<subcore_parallel>], iteration_bounds = array<i64: 2, 16>, scalar_prefetch = 0 : i64, scratch_operands = 5 : i64, tpu.core_type = #tpu.core_type<sc_vector_subcore>, window_params = [{transform_indices = #map}, {transform_indices = #map}, {transform_indices = #map1}]} {
    %mul3A = arith.constant 2 : i32
    %mul3A_0 = arith.muli %arg1, %mul3A : i32
    %add3A = arith.addi %mul3A_0, %arg0 : i32
    %mul3A_1 = arith.constant 128 : i32
    %mul3A_2 = arith.muli %add3A, %mul3A_1 : i32
    %dma_start3A = arith.constant 0 : i32
    %dma_start3A_3 = arith.constant 0 : i32
    %dma_start3A_4 = arith.constant 0 : i32
    %dma_start3A_5 = tpu.memref_slice %arg5[%dma_start3A_3, %dma_start3A_4] : memref<26x128xi32, #tpu.memory_space<vmem>> -> memref<1x128xi32, #tpu.memory_space<vmem>>
    %dma_start3A_6 = tpu.memref_squeeze %dma_start3A_5 : memref<1x128xi32, #tpu.memory_space<vmem>> -> memref<128xi32, #tpu.memory_space<vmem>>
    %dma_start3A_7 = tpu.memref_slice %arg2[%dma_start3A, %mul3A_2] : memref<26x4096xi32, #tpu.memory_space<hbm>> -> memref<1x128xi32, #tpu.memory_space<hbm>>
    %dma_start3A_8 = tpu.memref_squeeze %dma_start3A_7 : memref<1x128xi32, #tpu.memory_space<hbm>> -> memref<128xi32, #tpu.memory_space<hbm>>
    %dma_start3A_9 = arith.constant 0 : i32
    %dma_start3A_10 = tpu.memref_slice %arg5[%dma_start3A_3, %dma_start3A_9] : memref<26x128xi32, #tpu.memory_space<vmem>> -> memref<1x128xi32, #tpu.memory_space<vmem>>
    %dma_start3A_11 = tpu.memref_squeeze %dma_start3A_10 : memref<1x128xi32, #tpu.memory_space<vmem>> -> memref<128xi32, #tpu.memory_space<vmem>>
    %dma_start3A_12 = tpu.memref_slice %arg2[%dma_start3A, %mul3A_2] : memref<26x4096xi32, #tpu.memory_space<hbm>> -> memref<1x128xi32, #tpu.memory_space<hbm>>
    %dma_start3A_13 = tpu.memref_squeeze %dma_start3A_12 : memref<1x128xi32, #tpu.memory_space<hbm>> -> memref<128xi32, #tpu.memory_space<hbm>>
    tpu.enqueue_dma source(%dma_start3A_13 : memref<128xi32, #tpu.memory_space<hbm>>) target(%dma_start3A_11 : memref<128xi32, #tpu.memory_space<vmem>>) target_semaphore(%arg9 : memref<!tpu.dma_semaphore, #tpu.memory_space<semaphore_mem>>)
    %dma_start3A_14 = arith.constant 1 : i32
    %dma_start3A_15 = arith.constant 1 : i32
    %dma_start3A_16 = arith.constant 0 : i32
    %dma_start3A_17 = tpu.memref_slice %arg5[%dma_start3A_15, %dma_start3A_16] : memref<26x128xi32, #tpu.memory_space<vmem>> -> memref<1x128xi32, #tpu.memory_space<vmem>>
    %dma_start3A_18 = tpu.memref_squeeze %dma_start3A_17 : memref<1x128xi32, #tpu.memory_space<vmem>> -> memref<128xi32, #tpu.memory_space<vmem>>
    %dma_start3A_19 = tpu.memref_slice %arg2[%dma_start3A_14, %mul3A_2] : memref<26x4096xi32, #tpu.memory_space<hbm>> -> memref<1x128xi32, #tpu.memory_space<hbm>>
    %dma_start3A_20 = tpu.memref_squeeze %dma_start3A_19 : memref<1x128xi32, #tpu.memory_space<hbm>> -> memref<128xi32, #tpu.memory_space<hbm>>
    %dma_start3A_21 = arith.constant 0 : i32
    %dma_start3A_22 = tpu.memref_slice %arg5[%dma_start3A_15, %dma_start3A_21] : memref<26x128xi32, #tpu.memory_space<vmem>> -> memref<1x128xi32, #tpu.memory_space<vmem>>
    %dma_start3A_23 = tpu.memref_squeeze %dma_start3A_22 : memref<1x128xi32, #tpu.memory_space<vmem>> -> memref<128xi32, #tpu.memory_space<vmem>>
    %dma_start3A_24 = tpu.memref_slice %arg2[%dma_start3A_14, %mul3A_2] : memref<26x4096xi32, #tpu.memory_space<hbm>> -> memref<1x128xi32, #tpu.memory_space<hbm>>
    %dma_start3A_25 = tpu.memref_squeeze %dma_start3A_24 : memref<1x128xi32, #tpu.memory_space<hbm>> -> memref<128xi32, #tpu.memory_space<hbm>>
    tpu.enqueue_dma source(%dma_start3A_25 : memref<128xi32, #tpu.memory_space<hbm>>) target(%dma_start3A_23 : memref<128xi32, #tpu.memory_space<vmem>>) target_semaphore(%arg9 : memref<!tpu.dma_semaphore, #tpu.memory_space<semaphore_mem>>)
    %dma_start3A_26 = arith.constant 2 : i32
    %dma_start3A_27 = arith.constant 2 : i32
    %dma_start3A_28 = arith.constant 0 : i32
    %dma_start3A_29 = tpu.memref_slice %arg5[%dma_start3A_27, %dma_start3A_28] : memref<26x128xi32, #tpu.memory_space<vmem>> -> memref<1x128xi32, #tpu.memory_space<vmem>>
    %dma_start3A_30 = tpu.memref_squeeze %dma_start3A_29 : memref<1x128xi32, #tpu.memory_space<vmem>> -> memref<128xi32, #tpu.memory_space<vmem>>
    %dma_start3A_31 = tpu.memref_slice %arg2[%dma_start3A_26, %mul3A_2] : memref<26x4096xi32, #tpu.memory_space<hbm>> -> memref<1x128xi32, #tpu.memory_space<hbm>>
    %dma_start3A_32 = tpu.memref_squeeze %dma_start3A_31 : memref<1x128xi32, #tpu.memory_space<hbm>> -> memref<128xi32, #tpu.memory_space<hbm>>
    %dma_start3A_33 = arith.constant 0 : i32
    %dma_start3A_34 = tpu.memref_slice %arg5[%dma_start3A_27, %dma_start3A_33] : memref<26x128xi32, #tpu.memory_space<vmem>> -> memref<1x128xi32, #tpu.memory_space<vmem>>
    %dma_start3A_35 = tpu.memref_squeeze %dma_start3A_34 : memref<1x128xi32, #tpu.memory_space<vmem>> -> memref<128xi32, #tpu.memory_space<vmem>>
    %dma_start3A_36 = tpu.memref_slice %arg2[%dma_start3A_26, %mul3A_2] : memref<26x4096xi32, #tpu.memory_space<hbm>> -> memref<1x128xi32, #tpu.memory_space<hbm>>
    %dma_start3A_37 = tpu.memref_squeeze %dma_start3A_36 : memref<1x128xi32, #tpu.memory_space<hbm>> -> memref<128xi32, #tpu.memory_space<hbm>>
    tpu.enqueue_dma source(%dma_start3A_37 : memref<128xi32, #tpu.memory_space<hbm>>) target(%dma_start3A_35 : memref<128xi32, #tpu.memory_space<vmem>>) target_semaphore(%arg9 : memref<!tpu.dma_semaphore, #tpu.memory_space<semaphore_mem>>)
    %dma_start3A_38 = arith.constant 3 : i32
    %dma_start3A_39 = arith.constant 3 : i32
    %dma_start3A_40 = arith.constant 0 : i32
    %dma_start3A_41 = tpu.memref_slice %arg5[%dma_start3A_39, %dma_start3A_40] : memref<26x128xi32, #tpu.memory_space<vmem>> -> memref<1x128xi32, #tpu.memory_space<vmem>>
    %dma_start3A_42 = tpu.memref_squeeze %dma_start3A_41 : memref<1x128xi32, #tpu.memory_space<vmem>> -> memref<128xi32, #tpu.memory_space<vmem>>
    %dma_start3A_43 = tpu.memref_slice %arg2[%dma_start3A_38, %mul3A_2] : memref<26x4096xi32, #tpu.memory_space<hbm>> -> memref<1x128xi32, #tpu.memory_space<hbm>>
    %dma_start3A_44 = tpu.memref_squeeze %dma_start3A_43 : memref<1x128xi32, #tpu.memory_space<hbm>> -> memref<128xi32, #tpu.memory_space<hbm>>
    %dma_start3A_45 = arith.constant 0 : i32
    %dma_start3A_46 = tpu.memref_slice %arg5[%dma_start3A_39, %dma_start3A_45] : memref<26x128xi32, #tpu.memory_space<vmem>> -> memref<1x128xi32, #tpu.memory_space<vmem>>
    %dma_start3A_47 = tpu.memref_squeeze %dma_start3A_46 : memref<1x128xi32, #tpu.memory_space<vmem>> -> memref<128xi32, #tpu.memory_space<vmem>>
    %dma_start3A_48 = tpu.memref_slice %arg2[%dma_start3A_38, %mul3A_2] : memref<26x4096xi32, #tpu.memory_space<hbm>> -> memref<1x128xi32, #tpu.memory_space<hbm>>
    %dma_start3A_49 = tpu.memref_squeeze %dma_start3A_48 : memref<1x128xi32, #tpu.memory_space<hbm>> -> memref<128xi32, #tpu.memory_space<hbm>>
    tpu.enqueue_dma source(%dma_start3A_49 : memref<128xi32, #tpu.memory_space<hbm>>) target(%dma_start3A_47 : memref<128xi32, #tpu.memory_space<vmem>>) target_semaphore(%arg9 : memref<!tpu.dma_semaphore, #tpu.memory_space<semaphore_mem>>)
    %dma_start3A_50 = arith.constant 4 : i32
    %dma_start3A_51 = arith.constant 4 : i32
    %dma_start3A_52 = arith.constant 0 : i32
    %dma_start3A_53 = tpu.memref_slice %arg5[%dma_start3A_51, %dma_start3A_52] : memref<26x128xi32, #tpu.memory_space<vmem>> -> memref<1x128xi32, #tpu.memory_space<vmem>>
    %dma_start3A_54 = tpu.memref_squeeze %dma_start3A_53 : memref<1x128xi32, #tpu.memory_space<vmem>> -> memref<128xi32, #tpu.memory_space<vmem>>
    %dma_start3A_55 = tpu.memref_slice %arg2[%dma_start3A_50, %mul3A_2] : memref<26x4096xi32, #tpu.memory_space<hbm>> -> memref<1x128xi32, #tpu.memory_space<hbm>>
    %dma_start3A_56 = tpu.memref_squeeze %dma_start3A_55 : memref<1x128xi32, #tpu.memory_space<hbm>> -> memref<128xi32, #tpu.memory_space<hbm>>
    %dma_start3A_57 = arith.constant 0 : i32
    %dma_start3A_58 = tpu.memref_slice %arg5[%dma_start3A_51, %dma_start3A_57] : memref<26x128xi32, #tpu.memory_space<vmem>> -> memref<1x128xi32, #tpu.memory_space<vmem>>
    %dma_start3A_59 = tpu.memref_squeeze %dma_start3A_58 : memref<1x128xi32, #tpu.memory_space<vmem>> -> memref<128xi32, #tpu.memory_space<vmem>>
    %dma_start3A_60 = tpu.memref_slice %arg2[%dma_start3A_50, %mul3A_2] : memref<26x4096xi32, #tpu.memory_space<hbm>> -> memref<1x128xi32, #tpu.memory_space<hbm>>
    %dma_start3A_61 = tpu.memref_squeeze %dma_start3A_60 : memref<1x128xi32, #tpu.memory_space<hbm>> -> memref<128xi32, #tpu.memory_space<hbm>>
    tpu.enqueue_dma source(%dma_start3A_61 : memref<128xi32, #tpu.memory_space<hbm>>) target(%dma_start3A_59 : memref<128xi32, #tpu.memory_space<vmem>>) target_semaphore(%arg9 : memref<!tpu.dma_semaphore, #tpu.memory_space<semaphore_mem>>)
    %dma_start3A_62 = arith.constant 5 : i32
    %dma_start3A_63 = arith.constant 5 : i32
    %dma_start3A_64 = arith.constant 0 : i32
    %dma_start3A_65 = tpu.memref_slice %arg5[%dma_start3A_63, %dma_start3A_64] : memref<26x128xi32, #tpu.memory_space<vmem>> -> memref<1x128xi32, #tpu.memory_space<vmem>>
    %dma_start3A_66 = tpu.memref_squeeze %dma_start3A_65 : memref<1x128xi32, #tpu.memory_space<vmem>> -> memref<128xi32, #tpu.memory_space<vmem>>
    %dma_start3A_67 = tpu.memref_slice %arg2[%dma_start3A_62, %mul3A_2] : memref<26x4096xi32, #tpu.memory_space<hbm>> -> memref<1x128xi32, #tpu.memory_space<hbm>>
    %dma_start3A_68 = tpu.memref_squeeze %dma_start3A_67 : memref<1x128xi32, #tpu.memory_space<hbm>> -> memref<128xi32, #tpu.memory_space<hbm>>
    %dma_start3A_69 = arith.constant 0 : i32
    %dma_start3A_70 = tpu.memref_slice %arg5[%dma_start3A_63, %dma_start3A_69] : memref<26x128xi32, #tpu.memory_space<vmem>> -> memref<1x128xi32, #tpu.memory_space<vmem>>
    %dma_start3A_71 = tpu.memref_squeeze %dma_start3A_70 : memref<1x128xi32, #tpu.memory_space<vmem>> -> memref<128xi32, #tpu.memory_space<vmem>>
    %dma_start3A_72 = tpu.memref_slice %arg2[%dma_start3A_62, %mul3A_2] : memref<26x4096xi32, #tpu.memory_space<hbm>> -> memref<1x128xi32, #tpu.memory_space<hbm>>
    %dma_start3A_73 = tpu.memref_squeeze %dma_start3A_72 : memref<1x128xi32, #tpu.memory_space<hbm>> -> memref<128xi32, #tpu.memory_space<hbm>>
    tpu.enqueue_dma source(%dma_start3A_73 : memref<128xi32, #tpu.memory_space<hbm>>) target(%dma_start3A_71 : memref<128xi32, #tpu.memory_space<vmem>>) target_semaphore(%arg9 : memref<!tpu.dma_semaphore, #tpu.memory_space<semaphore_mem>>)
    %dma_start3A_74 = arith.constant 6 : i32
    %dma_start3A_75 = arith.constant 6 : i32
    %dma_start3A_76 = arith.constant 0 : i32
    %dma_start3A_77 = tpu.memref_slice %arg5[%dma_start3A_75, %dma_start3A_76] : memref<26x128xi32, #tpu.memory_space<vmem>> -> memref<1x128xi32, #tpu.memory_space<vmem>>
    %dma_start3A_78 = tpu.memref_squeeze %dma_start3A_77 : memref<1x128xi32, #tpu.memory_space<vmem>> -> memref<128xi32, #tpu.memory_space<vmem>>
    %dma_start3A_79 = tpu.memref_slice %arg2[%dma_start3A_74, %mul3A_2] : memref<26x4096xi32, #tpu.memory_space<hbm>> -> memref<1x128xi32, #tpu.memory_space<hbm>>
    %dma_start3A_80 = tpu.memref_squeeze %dma_start3A_79 : memref<1x128xi32, #tpu.memory_space<hbm>> -> memref<128xi32, #tpu.memory_space<hbm>>
    %dma_start3A_81 = arith.constant 0 : i32
    %dma_start3A_82 = tpu.memref_slice %arg5[%dma_start3A_75, %dma_start3A_81] : memref<26x128xi32, #tpu.memory_space<vmem>> -> memref<1x128xi32, #tpu.memory_space<vmem>>
    %dma_start3A_83 = tpu.memref_squeeze %dma_start3A_82 : memref<1x128xi32, #tpu.memory_space<vmem>> -> memref<128xi32, #tpu.memory_space<vmem>>
    %dma_start3A_84 = tpu.memref_slice %arg2[%dma_start3A_74, %mul3A_2] : memref<26x4096xi32, #tpu.memory_space<hbm>> -> memref<1x128xi32, #tpu.memory_space<hbm>>
    %dma_start3A_85 = tpu.memref_squeeze %dma_start3A_84 : memref<1x128xi32, #tpu.memory_space<hbm>> -> memref<128xi32, #tpu.memory_space<hbm>>
    tpu.enqueue_dma source(%dma_start3A_85 : memref<128xi32, #tpu.memory_space<hbm>>) target(%dma_start3A_83 : memref<128xi32, #tpu.memory_space<vmem>>) target_semaphore(%arg9 : memref<!tpu.dma_semaphore, #tpu.memory_space<semaphore_mem>>)
    %dma_start3A_86 = arith.constant 7 : i32
    %dma_start3A_87 = arith.constant 7 : i32
    %dma_start3A_88 = arith.constant 0 : i32
    %dma_start3A_89 = tpu.memref_slice %arg5[%dma_start3A_87, %dma_start3A_88] : memref<26x128xi32, #tpu.memory_space<vmem>> -> memref<1x128xi32, #tpu.memory_space<vmem>>
    %dma_start3A_90 = tpu.memref_squeeze %dma_start3A_89 : memref<1x128xi32, #tpu.memory_space<vmem>> -> memref<128xi32, #tpu.memory_space<vmem>>
    %dma_start3A_91 = tpu.memref_slice %arg2[%dma_start3A_86, %mul3A_2] : memref<26x4096xi32, #tpu.memory_space<hbm>> -> memref<1x128xi32, #tpu.memory_space<hbm>>
    %dma_start3A_92 = tpu.memref_squeeze %dma_start3A_91 : memref<1x128xi32, #tpu.memory_space<hbm>> -> memref<128xi32, #tpu.memory_space<hbm>>
    %dma_start3A_93 = arith.constant 0 : i32
    %dma_start3A_94 = tpu.memref_slice %arg5[%dma_start3A_87, %dma_start3A_93] : memref<26x128xi32, #tpu.memory_space<vmem>> -> memref<1x128xi32, #tpu.memory_space<vmem>>
    %dma_start3A_95 = tpu.memref_squeeze %dma_start3A_94 : memref<1x128xi32, #tpu.memory_space<vmem>> -> memref<128xi32, #tpu.memory_space<vmem>>
    %dma_start3A_96 = tpu.memref_slice %arg2[%dma_start3A_86, %mul3A_2] : memref<26x4096xi32, #tpu.memory_space<hbm>> -> memref<1x128xi32, #tpu.memory_space<hbm>>
    %dma_start3A_97 = tpu.memref_squeeze %dma_start3A_96 : memref<1x128xi32, #tpu.memory_space<hbm>> -> memref<128xi32, #tpu.memory_space<hbm>>
    tpu.enqueue_dma source(%dma_start3A_97 : memref<128xi32, #tpu.memory_space<hbm>>) target(%dma_start3A_95 : memref<128xi32, #tpu.memory_space<vmem>>) target_semaphore(%arg9 : memref<!tpu.dma_semaphore, #tpu.memory_space<semaphore_mem>>)
    %dma_start3A_98 = arith.constant 8 : i32
    %dma_start3A_99 = arith.constant 8 : i32
    %dma_start3A_100 = arith.constant 0 : i32
    %dma_start3A_101 = tpu.memref_slice %arg5[%dma_start3A_99, %dma_start3A_100] : memref<26x128xi32, #tpu.memory_space<vmem>> -> memref<1x128xi32, #tpu.memory_space<vmem>>
    %dma_start3A_102 = tpu.memref_squeeze %dma_start3A_101 : memref<1x128xi32, #tpu.memory_space<vmem>> -> memref<128xi32, #tpu.memory_space<vmem>>
    %dma_start3A_103 = tpu.memref_slice %arg2[%dma_start3A_98, %mul3A_2] : memref<26x4096xi32, #tpu.memory_space<hbm>> -> memref<1x128xi32, #tpu.memory_space<hbm>>
    %dma_start3A_104 = tpu.memref_squeeze %dma_start3A_103 : memref<1x128xi32, #tpu.memory_space<hbm>> -> memref<128xi32, #tpu.memory_space<hbm>>
    %dma_start3A_105 = arith.constant 0 : i32
    %dma_start3A_106 = tpu.memref_slice %arg5[%dma_start3A_99, %dma_start3A_105] : memref<26x128xi32, #tpu.memory_space<vmem>> -> memref<1x128xi32, #tpu.memory_space<vmem>>
    %dma_start3A_107 = tpu.memref_squeeze %dma_start3A_106 : memref<1x128xi32, #tpu.memory_space<vmem>> -> memref<128xi32, #tpu.memory_space<vmem>>
    %dma_start3A_108 = tpu.memref_slice %arg2[%dma_start3A_98, %mul3A_2] : memref<26x4096xi32, #tpu.memory_space<hbm>> -> memref<1x128xi32, #tpu.memory_space<hbm>>
    %dma_start3A_109 = tpu.memref_squeeze %dma_start3A_108 : memref<1x128xi32, #tpu.memory_space<hbm>> -> memref<128xi32, #tpu.memory_space<hbm>>
    tpu.enqueue_dma source(%dma_start3A_109 : memref<128xi32, #tpu.memory_space<hbm>>) target(%dma_start3A_107 : memref<128xi32, #tpu.memory_space<vmem>>) target_semaphore(%arg9 : memref<!tpu.dma_semaphore, #tpu.memory_space<semaphore_mem>>)
    %dma_start3A_110 = arith.constant 9 : i32
    %dma_start3A_111 = arith.constant 9 : i32
    %dma_start3A_112 = arith.constant 0 : i32
    %dma_start3A_113 = tpu.memref_slice %arg5[%dma_start3A_111, %dma_start3A_112] : memref<26x128xi32, #tpu.memory_space<vmem>> -> memref<1x128xi32, #tpu.memory_space<vmem>>
    %dma_start3A_114 = tpu.memref_squeeze %dma_start3A_113 : memref<1x128xi32, #tpu.memory_space<vmem>> -> memref<128xi32, #tpu.memory_space<vmem>>
    %dma_start3A_115 = tpu.memref_slice %arg2[%dma_start3A_110, %mul3A_2] : memref<26x4096xi32, #tpu.memory_space<hbm>> -> memref<1x128xi32, #tpu.memory_space<hbm>>
    %dma_start3A_116 = tpu.memref_squeeze %dma_start3A_115 : memref<1x128xi32, #tpu.memory_space<hbm>> -> memref<128xi32, #tpu.memory_space<hbm>>
    %dma_start3A_117 = arith.constant 0 : i32
    %dma_start3A_118 = tpu.memref_slice %arg5[%dma_start3A_111, %dma_start3A_117] : memref<26x128xi32, #tpu.memory_space<vmem>> -> memref<1x128xi32, #tpu.memory_space<vmem>>
    %dma_start3A_119 = tpu.memref_squeeze %dma_start3A_118 : memref<1x128xi32, #tpu.memory_space<vmem>> -> memref<128xi32, #tpu.memory_space<vmem>>
    %dma_start3A_120 = tpu.memref_slice %arg2[%dma_start3A_110, %mul3A_2] : memref<26x4096xi32, #tpu.memory_space<hbm>> -> memref<1x128xi32, #tpu.memory_space<hbm>>
    %dma_start3A_121 = tpu.memref_squeeze %dma_start3A_120 : memref<1x128xi32, #tpu.memory_space<hbm>> -> memref<128xi32, #tpu.memory_space<hbm>>
    tpu.enqueue_dma source(%dma_start3A_121 : memref<128xi32, #tpu.memory_space<hbm>>) target(%dma_start3A_119 : memref<128xi32, #tpu.memory_space<vmem>>) target_semaphore(%arg9 : memref<!tpu.dma_semaphore, #tpu.memory_space<semaphore_mem>>)
    %dma_start3A_122 = arith.constant 10 : i32
    %dma_start3A_123 = arith.constant 10 : i32
    %dma_start3A_124 = arith.constant 0 : i32
    %dma_start3A_125 = tpu.memref_slice %arg5[%dma_start3A_123, %dma_start3A_124] : memref<26x128xi32, #tpu.memory_space<vmem>> -> memref<1x128xi32, #tpu.memory_space<vmem>>
    %dma_start3A_126 = tpu.memref_squeeze %dma_start3A_125 : memref<1x128xi32, #tpu.memory_space<vmem>> -> memref<128xi32, #tpu.memory_space<vmem>>
    %dma_start3A_127 = tpu.memref_slice %arg2[%dma_start3A_122, %mul3A_2] : memref<26x4096xi32, #tpu.memory_space<hbm>> -> memref<1x128xi32, #tpu.memory_space<hbm>>
    %dma_start3A_128 = tpu.memref_squeeze %dma_start3A_127 : memref<1x128xi32, #tpu.memory_space<hbm>> -> memref<128xi32, #tpu.memory_space<hbm>>
    %dma_start3A_129 = arith.constant 0 : i32
    %dma_start3A_130 = tpu.memref_slice %arg5[%dma_start3A_123, %dma_start3A_129] : memref<26x128xi32, #tpu.memory_space<vmem>> -> memref<1x128xi32, #tpu.memory_space<vmem>>
    %dma_start3A_131 = tpu.memref_squeeze %dma_start3A_130 : memref<1x128xi32, #tpu.memory_space<vmem>> -> memref<128xi32, #tpu.memory_space<vmem>>
    %dma_start3A_132 = tpu.memref_slice %arg2[%dma_start3A_122, %mul3A_2] : memref<26x4096xi32, #tpu.memory_space<hbm>> -> memref<1x128xi32, #tpu.memory_space<hbm>>
    %dma_start3A_133 = tpu.memref_squeeze %dma_start3A_132 : memref<1x128xi32, #tpu.memory_space<hbm>> -> memref<128xi32, #tpu.memory_space<hbm>>
    tpu.enqueue_dma source(%dma_start3A_133 : memref<128xi32, #tpu.memory_space<hbm>>) target(%dma_start3A_131 : memref<128xi32, #tpu.memory_space<vmem>>) target_semaphore(%arg9 : memref<!tpu.dma_semaphore, #tpu.memory_space<semaphore_mem>>)
    %dma_start3A_134 = arith.constant 11 : i32
    %dma_start3A_135 = arith.constant 11 : i32
    %dma_start3A_136 = arith.constant 0 : i32
    %dma_start3A_137 = tpu.memref_slice %arg5[%dma_start3A_135, %dma_start3A_136] : memref<26x128xi32, #tpu.memory_space<vmem>> -> memref<1x128xi32, #tpu.memory_space<vmem>>
    %dma_start3A_138 = tpu.memref_squeeze %dma_start3A_137 : memref<1x128xi32, #tpu.memory_space<vmem>> -> memref<128xi32, #tpu.memory_space<vmem>>
    %dma_start3A_139 = tpu.memref_slice %arg2[%dma_start3A_134, %mul3A_2] : memref<26x4096xi32, #tpu.memory_space<hbm>> -> memref<1x128xi32, #tpu.memory_space<hbm>>
    %dma_start3A_140 = tpu.memref_squeeze %dma_start3A_139 : memref<1x128xi32, #tpu.memory_space<hbm>> -> memref<128xi32, #tpu.memory_space<hbm>>
    %dma_start3A_141 = arith.constant 0 : i32
    %dma_start3A_142 = tpu.memref_slice %arg5[%dma_start3A_135, %dma_start3A_141] : memref<26x128xi32, #tpu.memory_space<vmem>> -> memref<1x128xi32, #tpu.memory_space<vmem>>
    %dma_start3A_143 = tpu.memref_squeeze %dma_start3A_142 : memref<1x128xi32, #tpu.memory_space<vmem>> -> memref<128xi32, #tpu.memory_space<vmem>>
    %dma_start3A_144 = tpu.memref_slice %arg2[%dma_start3A_134, %mul3A_2] : memref<26x4096xi32, #tpu.memory_space<hbm>> -> memref<1x128xi32, #tpu.memory_space<hbm>>
    %dma_start3A_145 = tpu.memref_squeeze %dma_start3A_144 : memref<1x128xi32, #tpu.memory_space<hbm>> -> memref<128xi32, #tpu.memory_space<hbm>>
    tpu.enqueue_dma source(%dma_start3A_145 : memref<128xi32, #tpu.memory_space<hbm>>) target(%dma_start3A_143 : memref<128xi32, #tpu.memory_space<vmem>>) target_semaphore(%arg9 : memref<!tpu.dma_semaphore, #tpu.memory_space<semaphore_mem>>)
    %dma_start3A_146 = arith.constant 12 : i32
    %dma_start3A_147 = arith.constant 12 : i32
    %dma_start3A_148 = arith.constant 0 : i32
    %dma_start3A_149 = tpu.memref_slice %arg5[%dma_start3A_147, %dma_start3A_148] : memref<26x128xi32, #tpu.memory_space<vmem>> -> memref<1x128xi32, #tpu.memory_space<vmem>>
    %dma_start3A_150 = tpu.memref_squeeze %dma_start3A_149 : memref<1x128xi32, #tpu.memory_space<vmem>> -> memref<128xi32, #tpu.memory_space<vmem>>
    %dma_start3A_151 = tpu.memref_slice %arg2[%dma_start3A_146, %mul3A_2] : memref<26x4096xi32, #tpu.memory_space<hbm>> -> memref<1x128xi32, #tpu.memory_space<hbm>>
    %dma_start3A_152 = tpu.memref_squeeze %dma_start3A_151 : memref<1x128xi32, #tpu.memory_space<hbm>> -> memref<128xi32, #tpu.memory_space<hbm>>
    %dma_start3A_153 = arith.constant 0 : i32
    %dma_start3A_154 = tpu.memref_slice %arg5[%dma_start3A_147, %dma_start3A_153] : memref<26x128xi32, #tpu.memory_space<vmem>> -> memref<1x128xi32, #tpu.memory_space<vmem>>
    %dma_start3A_155 = tpu.memref_squeeze %dma_start3A_154 : memref<1x128xi32, #tpu.memory_space<vmem>> -> memref<128xi32, #tpu.memory_space<vmem>>
    %dma_start3A_156 = tpu.memref_slice %arg2[%dma_start3A_146, %mul3A_2] : memref<26x4096xi32, #tpu.memory_space<hbm>> -> memref<1x128xi32, #tpu.memory_space<hbm>>
    %dma_start3A_157 = tpu.memref_squeeze %dma_start3A_156 : memref<1x128xi32, #tpu.memory_space<hbm>> -> memref<128xi32, #tpu.memory_space<hbm>>
    tpu.enqueue_dma source(%dma_start3A_157 : memref<128xi32, #tpu.memory_space<hbm>>) target(%dma_start3A_155 : memref<128xi32, #tpu.memory_space<vmem>>) target_semaphore(%arg9 : memref<!tpu.dma_semaphore, #tpu.memory_space<semaphore_mem>>)
    %dma_start3A_158 = arith.constant 13 : i32
    %dma_start3A_159 = arith.constant 13 : i32
    %dma_start3A_160 = arith.constant 0 : i32
    %dma_start3A_161 = tpu.memref_slice %arg5[%dma_start3A_159, %dma_start3A_160] : memref<26x128xi32, #tpu.memory_space<vmem>> -> memref<1x128xi32, #tpu.memory_space<vmem>>
    %dma_start3A_162 = tpu.memref_squeeze %dma_start3A_161 : memref<1x128xi32, #tpu.memory_space<vmem>> -> memref<128xi32, #tpu.memory_space<vmem>>
    %dma_start3A_163 = tpu.memref_slice %arg2[%dma_start3A_158, %mul3A_2] : memref<26x4096xi32, #tpu.memory_space<hbm>> -> memref<1x128xi32, #tpu.memory_space<hbm>>
    %dma_start3A_164 = tpu.memref_squeeze %dma_start3A_163 : memref<1x128xi32, #tpu.memory_space<hbm>> -> memref<128xi32, #tpu.memory_space<hbm>>
    %dma_start3A_165 = arith.constant 0 : i32
    %dma_start3A_166 = tpu.memref_slice %arg5[%dma_start3A_159, %dma_start3A_165] : memref<26x128xi32, #tpu.memory_space<vmem>> -> memref<1x128xi32, #tpu.memory_space<vmem>>
    %dma_start3A_167 = tpu.memref_squeeze %dma_start3A_166 : memref<1x128xi32, #tpu.memory_space<vmem>> -> memref<128xi32, #tpu.memory_space<vmem>>
    %dma_start3A_168 = tpu.memref_slice %arg2[%dma_start3A_158, %mul3A_2] : memref<26x4096xi32, #tpu.memory_space<hbm>> -> memref<1x128xi32, #tpu.memory_space<hbm>>
    %dma_start3A_169 = tpu.memref_squeeze %dma_start3A_168 : memref<1x128xi32, #tpu.memory_space<hbm>> -> memref<128xi32, #tpu.memory_space<hbm>>
    tpu.enqueue_dma source(%dma_start3A_169 : memref<128xi32, #tpu.memory_space<hbm>>) target(%dma_start3A_167 : memref<128xi32, #tpu.memory_space<vmem>>) target_semaphore(%arg9 : memref<!tpu.dma_semaphore, #tpu.memory_space<semaphore_mem>>)
    %dma_start3A_170 = arith.constant 14 : i32
    %dma_start3A_171 = arith.constant 14 : i32
    %dma_start3A_172 = arith.constant 0 : i32
    %dma_start3A_173 = tpu.memref_slice %arg5[%dma_start3A_171, %dma_start3A_172] : memref<26x128xi32, #tpu.memory_space<vmem>> -> memref<1x128xi32, #tpu.memory_space<vmem>>
    %dma_start3A_174 = tpu.memref_squeeze %dma_start3A_173 : memref<1x128xi32, #tpu.memory_space<vmem>> -> memref<128xi32, #tpu.memory_space<vmem>>
    %dma_start3A_175 = tpu.memref_slice %arg2[%dma_start3A_170, %mul3A_2] : memref<26x4096xi32, #tpu.memory_space<hbm>> -> memref<1x128xi32, #tpu.memory_space<hbm>>
    %dma_start3A_176 = tpu.memref_squeeze %dma_start3A_175 : memref<1x128xi32, #tpu.memory_space<hbm>> -> memref<128xi32, #tpu.memory_space<hbm>>
    %dma_start3A_177 = arith.constant 0 : i32
    %dma_start3A_178 = tpu.memref_slice %arg5[%dma_start3A_171, %dma_start3A_177] : memref<26x128xi32, #tpu.memory_space<vmem>> -> memref<1x128xi32, #tpu.memory_space<vmem>>
    %dma_start3A_179 = tpu.memref_squeeze %dma_start3A_178 : memref<1x128xi32, #tpu.memory_space<vmem>> -> memref<128xi32, #tpu.memory_space<vmem>>
    %dma_start3A_180 = tpu.memref_slice %arg2[%dma_start3A_170, %mul3A_2] : memref<26x4096xi32, #tpu.memory_space<hbm>> -> memref<1x128xi32, #tpu.memory_space<hbm>>
    %dma_start3A_181 = tpu.memref_squeeze %dma_start3A_180 : memref<1x128xi32, #tpu.memory_space<hbm>> -> memref<128xi32, #tpu.memory_space<hbm>>
    tpu.enqueue_dma source(%dma_start3A_181 : memref<128xi32, #tpu.memory_space<hbm>>) target(%dma_start3A_179 : memref<128xi32, #tpu.memory_space<vmem>>) target_semaphore(%arg9 : memref<!tpu.dma_semaphore, #tpu.memory_space<semaphore_mem>>)
    %dma_start3A_182 = arith.constant 15 : i32
    %dma_start3A_183 = arith.constant 15 : i32
    %dma_start3A_184 = arith.constant 0 : i32
    %dma_start3A_185 = tpu.memref_slice %arg5[%dma_start3A_183, %dma_start3A_184] : memref<26x128xi32, #tpu.memory_space<vmem>> -> memref<1x128xi32, #tpu.memory_space<vmem>>
    %dma_start3A_186 = tpu.memref_squeeze %dma_start3A_185 : memref<1x128xi32, #tpu.memory_space<vmem>> -> memref<128xi32, #tpu.memory_space<vmem>>
    %dma_start3A_187 = tpu.memref_slice %arg2[%dma_start3A_182, %mul3A_2] : memref<26x4096xi32, #tpu.memory_space<hbm>> -> memref<1x128xi32, #tpu.memory_space<hbm>>
    %dma_start3A_188 = tpu.memref_squeeze %dma_start3A_187 : memref<1x128xi32, #tpu.memory_space<hbm>> -> memref<128xi32, #tpu.memory_space<hbm>>
    %dma_start3A_189 = arith.constant 0 : i32
    %dma_start3A_190 = tpu.memref_slice %arg5[%dma_start3A_183, %dma_start3A_189] : memref<26x128xi32, #tpu.memory_space<vmem>> -> memref<1x128xi32, #tpu.memory_space<vmem>>
    %dma_start3A_191 = tpu.memref_squeeze %dma_start3A_190 : memref<1x128xi32, #tpu.memory_space<vmem>> -> memref<128xi32, #tpu.memory_space<vmem>>
    %dma_start3A_192 = tpu.memref_slice %arg2[%dma_start3A_182, %mul3A_2] : memref<26x4096xi32, #tpu.memory_space<hbm>> -> memref<1x128xi32, #tpu.memory_space<hbm>>
    %dma_start3A_193 = tpu.memref_squeeze %dma_start3A_192 : memref<1x128xi32, #tpu.memory_space<hbm>> -> memref<128xi32, #tpu.memory_space<hbm>>
    tpu.enqueue_dma source(%dma_start3A_193 : memref<128xi32, #tpu.memory_space<hbm>>) target(%dma_start3A_191 : memref<128xi32, #tpu.memory_space<vmem>>) target_semaphore(%arg9 : memref<!tpu.dma_semaphore, #tpu.memory_space<semaphore_mem>>)
    %dma_start3A_194 = arith.constant 16 : i32
    %dma_start3A_195 = arith.constant 16 : i32
    %dma_start3A_196 = arith.constant 0 : i32
    %dma_start3A_197 = tpu.memref_slice %arg5[%dma_start3A_195, %dma_start3A_196] : memref<26x128xi32, #tpu.memory_space<vmem>> -> memref<1x128xi32, #tpu.memory_space<vmem>>
    %dma_start3A_198 = tpu.memref_squeeze %dma_start3A_197 : memref<1x128xi32, #tpu.memory_space<vmem>> -> memref<128xi32, #tpu.memory_space<vmem>>
    %dma_start3A_199 = tpu.memref_slice %arg2[%dma_start3A_194, %mul3A_2] : memref<26x4096xi32, #tpu.memory_space<hbm>> -> memref<1x128xi32, #tpu.memory_space<hbm>>
    %dma_start3A_200 = tpu.memref_squeeze %dma_start3A_199 : memref<1x128xi32, #tpu.memory_space<hbm>> -> memref<128xi32, #tpu.memory_space<hbm>>
    %dma_start3A_201 = arith.constant 0 : i32
    %dma_start3A_202 = tpu.memref_slice %arg5[%dma_start3A_195, %dma_start3A_201] : memref<26x128xi32, #tpu.memory_space<vmem>> -> memref<1x128xi32, #tpu.memory_space<vmem>>
    %dma_start3A_203 = tpu.memref_squeeze %dma_start3A_202 : memref<1x128xi32, #tpu.memory_space<vmem>> -> memref<128xi32, #tpu.memory_space<vmem>>
    %dma_start3A_204 = tpu.memref_slice %arg2[%dma_start3A_194, %mul3A_2] : memref<26x4096xi32, #tpu.memory_space<hbm>> -> memref<1x128xi32, #tpu.memory_space<hbm>>
    %dma_start3A_205 = tpu.memref_squeeze %dma_start3A_204 : memref<1x128xi32, #tpu.memory_space<hbm>> -> memref<128xi32, #tpu.memory_space<hbm>>
    tpu.enqueue_dma source(%dma_start3A_205 : memref<128xi32, #tpu.memory_space<hbm>>) target(%dma_start3A_203 : memref<128xi32, #tpu.memory_space<vmem>>) target_semaphore(%arg9 : memref<!tpu.dma_semaphore, #tpu.memory_space<semaphore_mem>>)
    %dma_start3A_206 = arith.constant 17 : i32
    %dma_start3A_207 = arith.constant 17 : i32
    %dma_start3A_208 = arith.constant 0 : i32
    %dma_start3A_209 = tpu.memref_slice %arg5[%dma_start3A_207, %dma_start3A_208] : memref<26x128xi32, #tpu.memory_space<vmem>> -> memref<1x128xi32, #tpu.memory_space<vmem>>
    %dma_start3A_210 = tpu.memref_squeeze %dma_start3A_209 : memref<1x128xi32, #tpu.memory_space<vmem>> -> memref<128xi32, #tpu.memory_space<vmem>>
    %dma_start3A_211 = tpu.memref_slice %arg2[%dma_start3A_206, %mul3A_2] : memref<26x4096xi32, #tpu.memory_space<hbm>> -> memref<1x128xi32, #tpu.memory_space<hbm>>
    %dma_start3A_212 = tpu.memref_squeeze %dma_start3A_211 : memref<1x128xi32, #tpu.memory_space<hbm>> -> memref<128xi32, #tpu.memory_space<hbm>>
    %dma_start3A_213 = arith.constant 0 : i32
    %dma_start3A_214 = tpu.memref_slice %arg5[%dma_start3A_207, %dma_start3A_213] : memref<26x128xi32, #tpu.memory_space<vmem>> -> memref<1x128xi32, #tpu.memory_space<vmem>>
    %dma_start3A_215 = tpu.memref_squeeze %dma_start3A_214 : memref<1x128xi32, #tpu.memory_space<vmem>> -> memref<128xi32, #tpu.memory_space<vmem>>
    %dma_start3A_216 = tpu.memref_slice %arg2[%dma_start3A_206, %mul3A_2] : memref<26x4096xi32, #tpu.memory_space<hbm>> -> memref<1x128xi32, #tpu.memory_space<hbm>>
    %dma_start3A_217 = tpu.memref_squeeze %dma_start3A_216 : memref<1x128xi32, #tpu.memory_space<hbm>> -> memref<128xi32, #tpu.memory_space<hbm>>
    tpu.enqueue_dma source(%dma_start3A_217 : memref<128xi32, #tpu.memory_space<hbm>>) target(%dma_start3A_215 : memref<128xi32, #tpu.memory_space<vmem>>) target_semaphore(%arg9 : memref<!tpu.dma_semaphore, #tpu.memory_space<semaphore_mem>>)
    %dma_start3A_218 = arith.constant 18 : i32
    %dma_start3A_219 = arith.constant 18 : i32
    %dma_start3A_220 = arith.constant 0 : i32
    %dma_start3A_221 = tpu.memref_slice %arg5[%dma_start3A_219, %dma_start3A_220] : memref<26x128xi32, #tpu.memory_space<vmem>> -> memref<1x128xi32, #tpu.memory_space<vmem>>
    %dma_start3A_222 = tpu.memref_squeeze %dma_start3A_221 : memref<1x128xi32, #tpu.memory_space<vmem>> -> memref<128xi32, #tpu.memory_space<vmem>>
    %dma_start3A_223 = tpu.memref_slice %arg2[%dma_start3A_218, %mul3A_2] : memref<26x4096xi32, #tpu.memory_space<hbm>> -> memref<1x128xi32, #tpu.memory_space<hbm>>
    %dma_start3A_224 = tpu.memref_squeeze %dma_start3A_223 : memref<1x128xi32, #tpu.memory_space<hbm>> -> memref<128xi32, #tpu.memory_space<hbm>>
    %dma_start3A_225 = arith.constant 0 : i32
    %dma_start3A_226 = tpu.memref_slice %arg5[%dma_start3A_219, %dma_start3A_225] : memref<26x128xi32, #tpu.memory_space<vmem>> -> memref<1x128xi32, #tpu.memory_space<vmem>>
    %dma_start3A_227 = tpu.memref_squeeze %dma_start3A_226 : memref<1x128xi32, #tpu.memory_space<vmem>> -> memref<128xi32, #tpu.memory_space<vmem>>
    %dma_start3A_228 = tpu.memref_slice %arg2[%dma_start3A_218, %mul3A_2] : memref<26x4096xi32, #tpu.memory_space<hbm>> -> memref<1x128xi32, #tpu.memory_space<hbm>>
    %dma_start3A_229 = tpu.memref_squeeze %dma_start3A_228 : memref<1x128xi32, #tpu.memory_space<hbm>> -> memref<128xi32, #tpu.memory_space<hbm>>
    tpu.enqueue_dma source(%dma_start3A_229 : memref<128xi32, #tpu.memory_space<hbm>>) target(%dma_start3A_227 : memref<128xi32, #tpu.memory_space<vmem>>) target_semaphore(%arg9 : memref<!tpu.dma_semaphore, #tpu.memory_space<semaphore_mem>>)
    %dma_start3A_230 = arith.constant 19 : i32
    %dma_start3A_231 = arith.constant 19 : i32
    %dma_start3A_232 = arith.constant 0 : i32
    %dma_start3A_233 = tpu.memref_slice %arg5[%dma_start3A_231, %dma_start3A_232] : memref<26x128xi32, #tpu.memory_space<vmem>> -> memref<1x128xi32, #tpu.memory_space<vmem>>
    %dma_start3A_234 = tpu.memref_squeeze %dma_start3A_233 : memref<1x128xi32, #tpu.memory_space<vmem>> -> memref<128xi32, #tpu.memory_space<vmem>>
    %dma_start3A_235 = tpu.memref_slice %arg2[%dma_start3A_230, %mul3A_2] : memref<26x4096xi32, #tpu.memory_space<hbm>> -> memref<1x128xi32, #tpu.memory_space<hbm>>
    %dma_start3A_236 = tpu.memref_squeeze %dma_start3A_235 : memref<1x128xi32, #tpu.memory_space<hbm>> -> memref<128xi32, #tpu.memory_space<hbm>>
    %dma_start3A_237 = arith.constant 0 : i32
    %dma_start3A_238 = tpu.memref_slice %arg5[%dma_start3A_231, %dma_start3A_237] : memref<26x128xi32, #tpu.memory_space<vmem>> -> memref<1x128xi32, #tpu.memory_space<vmem>>
    %dma_start3A_239 = tpu.memref_squeeze %dma_start3A_238 : memref<1x128xi32, #tpu.memory_space<vmem>> -> memref<128xi32, #tpu.memory_space<vmem>>
    %dma_start3A_240 = tpu.memref_slice %arg2[%dma_start3A_230, %mul3A_2] : memref<26x4096xi32, #tpu.memory_space<hbm>> -> memref<1x128xi32, #tpu.memory_space<hbm>>
    %dma_start3A_241 = tpu.memref_squeeze %dma_start3A_240 : memref<1x128xi32, #tpu.memory_space<hbm>> -> memref<128xi32, #tpu.memory_space<hbm>>
    tpu.enqueue_dma source(%dma_start3A_241 : memref<128xi32, #tpu.memory_space<hbm>>) target(%dma_start3A_239 : memref<128xi32, #tpu.memory_space<vmem>>) target_semaphore(%arg9 : memref<!tpu.dma_semaphore, #tpu.memory_space<semaphore_mem>>)
    %dma_start3A_242 = arith.constant 20 : i32
    %dma_start3A_243 = arith.constant 20 : i32
    %dma_start3A_244 = arith.constant 0 : i32
    %dma_start3A_245 = tpu.memref_slice %arg5[%dma_start3A_243, %dma_start3A_244] : memref<26x128xi32, #tpu.memory_space<vmem>> -> memref<1x128xi32, #tpu.memory_space<vmem>>
    %dma_start3A_246 = tpu.memref_squeeze %dma_start3A_245 : memref<1x128xi32, #tpu.memory_space<vmem>> -> memref<128xi32, #tpu.memory_space<vmem>>
    %dma_start3A_247 = tpu.memref_slice %arg2[%dma_start3A_242, %mul3A_2] : memref<26x4096xi32, #tpu.memory_space<hbm>> -> memref<1x128xi32, #tpu.memory_space<hbm>>
    %dma_start3A_248 = tpu.memref_squeeze %dma_start3A_247 : memref<1x128xi32, #tpu.memory_space<hbm>> -> memref<128xi32, #tpu.memory_space<hbm>>
    %dma_start3A_249 = arith.constant 0 : i32
    %dma_start3A_250 = tpu.memref_slice %arg5[%dma_start3A_243, %dma_start3A_249] : memref<26x128xi32, #tpu.memory_space<vmem>> -> memref<1x128xi32, #tpu.memory_space<vmem>>
    %dma_start3A_251 = tpu.memref_squeeze %dma_start3A_250 : memref<1x128xi32, #tpu.memory_space<vmem>> -> memref<128xi32, #tpu.memory_space<vmem>>
    %dma_start3A_252 = tpu.memref_slice %arg2[%dma_start3A_242, %mul3A_2] : memref<26x4096xi32, #tpu.memory_space<hbm>> -> memref<1x128xi32, #tpu.memory_space<hbm>>
    %dma_start3A_253 = tpu.memref_squeeze %dma_start3A_252 : memref<1x128xi32, #tpu.memory_space<hbm>> -> memref<128xi32, #tpu.memory_space<hbm>>
    tpu.enqueue_dma source(%dma_start3A_253 : memref<128xi32, #tpu.memory_space<hbm>>) target(%dma_start3A_251 : memref<128xi32, #tpu.memory_space<vmem>>) target_semaphore(%arg9 : memref<!tpu.dma_semaphore, #tpu.memory_space<semaphore_mem>>)
    %dma_start3A_254 = arith.constant 21 : i32
    %dma_start3A_255 = arith.constant 21 : i32
    %dma_start3A_256 = arith.constant 0 : i32
    %dma_start3A_257 = tpu.memref_slice %arg5[%dma_start3A_255, %dma_start3A_256] : memref<26x128xi32, #tpu.memory_space<vmem>> -> memref<1x128xi32, #tpu.memory_space<vmem>>
    %dma_start3A_258 = tpu.memref_squeeze %dma_start3A_257 : memref<1x128xi32, #tpu.memory_space<vmem>> -> memref<128xi32, #tpu.memory_space<vmem>>
    %dma_start3A_259 = tpu.memref_slice %arg2[%dma_start3A_254, %mul3A_2] : memref<26x4096xi32, #tpu.memory_space<hbm>> -> memref<1x128xi32, #tpu.memory_space<hbm>>
    %dma_start3A_260 = tpu.memref_squeeze %dma_start3A_259 : memref<1x128xi32, #tpu.memory_space<hbm>> -> memref<128xi32, #tpu.memory_space<hbm>>
    %dma_start3A_261 = arith.constant 0 : i32
    %dma_start3A_262 = tpu.memref_slice %arg5[%dma_start3A_255, %dma_start3A_261] : memref<26x128xi32, #tpu.memory_space<vmem>> -> memref<1x128xi32, #tpu.memory_space<vmem>>
    %dma_start3A_263 = tpu.memref_squeeze %dma_start3A_262 : memref<1x128xi32, #tpu.memory_space<vmem>> -> memref<128xi32, #tpu.memory_space<vmem>>
    %dma_start3A_264 = tpu.memref_slice %arg2[%dma_start3A_254, %mul3A_2] : memref<26x4096xi32, #tpu.memory_space<hbm>> -> memref<1x128xi32, #tpu.memory_space<hbm>>
    %dma_start3A_265 = tpu.memref_squeeze %dma_start3A_264 : memref<1x128xi32, #tpu.memory_space<hbm>> -> memref<128xi32, #tpu.memory_space<hbm>>
    tpu.enqueue_dma source(%dma_start3A_265 : memref<128xi32, #tpu.memory_space<hbm>>) target(%dma_start3A_263 : memref<128xi32, #tpu.memory_space<vmem>>) target_semaphore(%arg9 : memref<!tpu.dma_semaphore, #tpu.memory_space<semaphore_mem>>)
    %dma_start3A_266 = arith.constant 22 : i32
    %dma_start3A_267 = arith.constant 22 : i32
    %dma_start3A_268 = arith.constant 0 : i32
    %dma_start3A_269 = tpu.memref_slice %arg5[%dma_start3A_267, %dma_start3A_268] : memref<26x128xi32, #tpu.memory_space<vmem>> -> memref<1x128xi32, #tpu.memory_space<vmem>>
    %dma_start3A_270 = tpu.memref_squeeze %dma_start3A_269 : memref<1x128xi32, #tpu.memory_space<vmem>> -> memref<128xi32, #tpu.memory_space<vmem>>
    %dma_start3A_271 = tpu.memref_slice %arg2[%dma_start3A_266, %mul3A_2] : memref<26x4096xi32, #tpu.memory_space<hbm>> -> memref<1x128xi32, #tpu.memory_space<hbm>>
    %dma_start3A_272 = tpu.memref_squeeze %dma_start3A_271 : memref<1x128xi32, #tpu.memory_space<hbm>> -> memref<128xi32, #tpu.memory_space<hbm>>
    %dma_start3A_273 = arith.constant 0 : i32
    %dma_start3A_274 = tpu.memref_slice %arg5[%dma_start3A_267, %dma_start3A_273] : memref<26x128xi32, #tpu.memory_space<vmem>> -> memref<1x128xi32, #tpu.memory_space<vmem>>
    %dma_start3A_275 = tpu.memref_squeeze %dma_start3A_274 : memref<1x128xi32, #tpu.memory_space<vmem>> -> memref<128xi32, #tpu.memory_space<vmem>>
    %dma_start3A_276 = tpu.memref_slice %arg2[%dma_start3A_266, %mul3A_2] : memref<26x4096xi32, #tpu.memory_space<hbm>> -> memref<1x128xi32, #tpu.memory_space<hbm>>
    %dma_start3A_277 = tpu.memref_squeeze %dma_start3A_276 : memref<1x128xi32, #tpu.memory_space<hbm>> -> memref<128xi32, #tpu.memory_space<hbm>>
    tpu.enqueue_dma source(%dma_start3A_277 : memref<128xi32, #tpu.memory_space<hbm>>) target(%dma_start3A_275 : memref<128xi32, #tpu.memory_space<vmem>>) target_semaphore(%arg9 : memref<!tpu.dma_semaphore, #tpu.memory_space<semaphore_mem>>)
    %dma_start3A_278 = arith.constant 23 : i32
    %dma_start3A_279 = arith.constant 23 : i32
    %dma_start3A_280 = arith.constant 0 : i32
    %dma_start3A_281 = tpu.memref_slice %arg5[%dma_start3A_279, %dma_start3A_280] : memref<26x128xi32, #tpu.memory_space<vmem>> -> memref<1x128xi32, #tpu.memory_space<vmem>>
    %dma_start3A_282 = tpu.memref_squeeze %dma_start3A_281 : memref<1x128xi32, #tpu.memory_space<vmem>> -> memref<128xi32, #tpu.memory_space<vmem>>
    %dma_start3A_283 = tpu.memref_slice %arg2[%dma_start3A_278, %mul3A_2] : memref<26x4096xi32, #tpu.memory_space<hbm>> -> memref<1x128xi32, #tpu.memory_space<hbm>>
    %dma_start3A_284 = tpu.memref_squeeze %dma_start3A_283 : memref<1x128xi32, #tpu.memory_space<hbm>> -> memref<128xi32, #tpu.memory_space<hbm>>
    %dma_start3A_285 = arith.constant 0 : i32
    %dma_start3A_286 = tpu.memref_slice %arg5[%dma_start3A_279, %dma_start3A_285] : memref<26x128xi32, #tpu.memory_space<vmem>> -> memref<1x128xi32, #tpu.memory_space<vmem>>
    %dma_start3A_287 = tpu.memref_squeeze %dma_start3A_286 : memref<1x128xi32, #tpu.memory_space<vmem>> -> memref<128xi32, #tpu.memory_space<vmem>>
    %dma_start3A_288 = tpu.memref_slice %arg2[%dma_start3A_278, %mul3A_2] : memref<26x4096xi32, #tpu.memory_space<hbm>> -> memref<1x128xi32, #tpu.memory_space<hbm>>
    %dma_start3A_289 = tpu.memref_squeeze %dma_start3A_288 : memref<1x128xi32, #tpu.memory_space<hbm>> -> memref<128xi32, #tpu.memory_space<hbm>>
    tpu.enqueue_dma source(%dma_start3A_289 : memref<128xi32, #tpu.memory_space<hbm>>) target(%dma_start3A_287 : memref<128xi32, #tpu.memory_space<vmem>>) target_semaphore(%arg9 : memref<!tpu.dma_semaphore, #tpu.memory_space<semaphore_mem>>)
    %dma_start3A_290 = arith.constant 24 : i32
    %dma_start3A_291 = arith.constant 24 : i32
    %dma_start3A_292 = arith.constant 0 : i32
    %dma_start3A_293 = tpu.memref_slice %arg5[%dma_start3A_291, %dma_start3A_292] : memref<26x128xi32, #tpu.memory_space<vmem>> -> memref<1x128xi32, #tpu.memory_space<vmem>>
    %dma_start3A_294 = tpu.memref_squeeze %dma_start3A_293 : memref<1x128xi32, #tpu.memory_space<vmem>> -> memref<128xi32, #tpu.memory_space<vmem>>
    %dma_start3A_295 = tpu.memref_slice %arg2[%dma_start3A_290, %mul3A_2] : memref<26x4096xi32, #tpu.memory_space<hbm>> -> memref<1x128xi32, #tpu.memory_space<hbm>>
    %dma_start3A_296 = tpu.memref_squeeze %dma_start3A_295 : memref<1x128xi32, #tpu.memory_space<hbm>> -> memref<128xi32, #tpu.memory_space<hbm>>
    %dma_start3A_297 = arith.constant 0 : i32
    %dma_start3A_298 = tpu.memref_slice %arg5[%dma_start3A_291, %dma_start3A_297] : memref<26x128xi32, #tpu.memory_space<vmem>> -> memref<1x128xi32, #tpu.memory_space<vmem>>
    %dma_start3A_299 = tpu.memref_squeeze %dma_start3A_298 : memref<1x128xi32, #tpu.memory_space<vmem>> -> memref<128xi32, #tpu.memory_space<vmem>>
    %dma_start3A_300 = tpu.memref_slice %arg2[%dma_start3A_290, %mul3A_2] : memref<26x4096xi32, #tpu.memory_space<hbm>> -> memref<1x128xi32, #tpu.memory_space<hbm>>
    %dma_start3A_301 = tpu.memref_squeeze %dma_start3A_300 : memref<1x128xi32, #tpu.memory_space<hbm>> -> memref<128xi32, #tpu.memory_space<hbm>>
    tpu.enqueue_dma source(%dma_start3A_301 : memref<128xi32, #tpu.memory_space<hbm>>) target(%dma_start3A_299 : memref<128xi32, #tpu.memory_space<vmem>>) target_semaphore(%arg9 : memref<!tpu.dma_semaphore, #tpu.memory_space<semaphore_mem>>)
    %dma_start3A_302 = arith.constant 25 : i32
    %dma_start3A_303 = arith.constant 25 : i32
    %dma_start3A_304 = arith.constant 0 : i32
    %dma_start3A_305 = tpu.memref_slice %arg5[%dma_start3A_303, %dma_start3A_304] : memref<26x128xi32, #tpu.memory_space<vmem>> -> memref<1x128xi32, #tpu.memory_space<vmem>>
    %dma_start3A_306 = tpu.memref_squeeze %dma_start3A_305 : memref<1x128xi32, #tpu.memory_space<vmem>> -> memref<128xi32, #tpu.memory_space<vmem>>
    %dma_start3A_307 = tpu.memref_slice %arg2[%dma_start3A_302, %mul3A_2] : memref<26x4096xi32, #tpu.memory_space<hbm>> -> memref<1x128xi32, #tpu.memory_space<hbm>>
    %dma_start3A_308 = tpu.memref_squeeze %dma_start3A_307 : memref<1x128xi32, #tpu.memory_space<hbm>> -> memref<128xi32, #tpu.memory_space<hbm>>
    %dma_start3A_309 = arith.constant 0 : i32
    %dma_start3A_310 = tpu.memref_slice %arg5[%dma_start3A_303, %dma_start3A_309] : memref<26x128xi32, #tpu.memory_space<vmem>> -> memref<1x128xi32, #tpu.memory_space<vmem>>
    %dma_start3A_311 = tpu.memref_squeeze %dma_start3A_310 : memref<1x128xi32, #tpu.memory_space<vmem>> -> memref<128xi32, #tpu.memory_space<vmem>>
    %dma_start3A_312 = tpu.memref_slice %arg2[%dma_start3A_302, %mul3A_2] : memref<26x4096xi32, #tpu.memory_space<hbm>> -> memref<1x128xi32, #tpu.memory_space<hbm>>
    %dma_start3A_313 = tpu.memref_squeeze %dma_start3A_312 : memref<1x128xi32, #tpu.memory_space<hbm>> -> memref<128xi32, #tpu.memory_space<hbm>>
    tpu.enqueue_dma source(%dma_start3A_313 : memref<128xi32, #tpu.memory_space<hbm>>) target(%dma_start3A_311 : memref<128xi32, #tpu.memory_space<vmem>>) target_semaphore(%arg9 : memref<!tpu.dma_semaphore, #tpu.memory_space<semaphore_mem>>)
    %dma_wait3A = arith.constant 0 : i32
    %dma_wait3A_314 = arith.constant 0 : i32
    %dma_wait3A_315 = arith.constant 0 : i32
    %dma_wait3A_316 = tpu.memref_slice %arg5[%dma_wait3A_314, %dma_wait3A_315] : memref<26x128xi32, #tpu.memory_space<vmem>> -> memref<1x128xi32, #tpu.memory_space<vmem>>
    %dma_wait3A_317 = tpu.memref_squeeze %dma_wait3A_316 : memref<1x128xi32, #tpu.memory_space<vmem>> -> memref<128xi32, #tpu.memory_space<vmem>>
    %dma_wait3A_318 = tpu.memref_slice %arg2[%dma_wait3A, %mul3A_2] : memref<26x4096xi32, #tpu.memory_space<hbm>> -> memref<1x128xi32, #tpu.memory_space<hbm>>
    %dma_wait3A_319 = tpu.memref_squeeze %dma_wait3A_318 : memref<1x128xi32, #tpu.memory_space<hbm>> -> memref<128xi32, #tpu.memory_space<hbm>>
    %dma_wait3A_320 = arith.constant 0 : i32
    %dma_wait3A_321 = tpu.memref_slice %arg5[%dma_wait3A_314, %dma_wait3A_320] : memref<26x128xi32, #tpu.memory_space<vmem>> -> memref<1x128xi32, #tpu.memory_space<vmem>>
    %dma_wait3A_322 = tpu.memref_squeeze %dma_wait3A_321 : memref<1x128xi32, #tpu.memory_space<vmem>> -> memref<128xi32, #tpu.memory_space<vmem>>
    %dma_wait3A_323 = tpu.memref_slice %arg2[%dma_wait3A, %mul3A_2] : memref<26x4096xi32, #tpu.memory_space<hbm>> -> memref<1x128xi32, #tpu.memory_space<hbm>>
    %dma_wait3A_324 = tpu.memref_squeeze %dma_wait3A_323 : memref<1x128xi32, #tpu.memory_space<hbm>> -> memref<128xi32, #tpu.memory_space<hbm>>
    tpu.wait_dma2 semaphore(%arg9 : memref<!tpu.dma_semaphore, #tpu.memory_space<semaphore_mem>>) src(%dma_wait3A_324 : memref<128xi32, #tpu.memory_space<hbm>>) dst(%dma_wait3A_322 : memref<128xi32, #tpu.memory_space<vmem>>)
    %dma_wait3A_325 = arith.constant 0 : i32
    %dma_wait3A_326 = arith.constant 0 : i32
    %dma_wait3A_327 = arith.constant 0 : i32
    %dma_wait3A_328 = tpu.memref_slice %arg5[%dma_wait3A_326, %dma_wait3A_327] : memref<26x128xi32, #tpu.memory_space<vmem>> -> memref<1x128xi32, #tpu.memory_space<vmem>>
    %dma_wait3A_329 = tpu.memref_squeeze %dma_wait3A_328 : memref<1x128xi32, #tpu.memory_space<vmem>> -> memref<128xi32, #tpu.memory_space<vmem>>
    %dma_wait3A_330 = tpu.memref_slice %arg2[%dma_wait3A_325, %mul3A_2] : memref<26x4096xi32, #tpu.memory_space<hbm>> -> memref<1x128xi32, #tpu.memory_space<hbm>>
    %dma_wait3A_331 = tpu.memref_squeeze %dma_wait3A_330 : memref<1x128xi32, #tpu.memory_space<hbm>> -> memref<128xi32, #tpu.memory_space<hbm>>
    %dma_wait3A_332 = arith.constant 0 : i32
    %dma_wait3A_333 = tpu.memref_slice %arg5[%dma_wait3A_326, %dma_wait3A_332] : memref<26x128xi32, #tpu.memory_space<vmem>> -> memref<1x128xi32, #tpu.memory_space<vmem>>
    %dma_wait3A_334 = tpu.memref_squeeze %dma_wait3A_333 : memref<1x128xi32, #tpu.memory_space<vmem>> -> memref<128xi32, #tpu.memory_space<vmem>>
    %dma_wait3A_335 = tpu.memref_slice %arg2[%dma_wait3A_325, %mul3A_2] : memref<26x4096xi32, #tpu.memory_space<hbm>> -> memref<1x128xi32, #tpu.memory_space<hbm>>
    %dma_wait3A_336 = tpu.memref_squeeze %dma_wait3A_335 : memref<1x128xi32, #tpu.memory_space<hbm>> -> memref<128xi32, #tpu.memory_space<hbm>>
    tpu.wait_dma2 semaphore(%arg9 : memref<!tpu.dma_semaphore, #tpu.memory_space<semaphore_mem>>) src(%dma_wait3A_336 : memref<128xi32, #tpu.memory_space<hbm>>) dst(%dma_wait3A_334 : memref<128xi32, #tpu.memory_space<vmem>>)
    %dma_wait3A_337 = arith.constant 0 : i32
    %dma_wait3A_338 = arith.constant 0 : i32
    %dma_wait3A_339 = arith.constant 0 : i32
    %dma_wait3A_340 = tpu.memref_slice %arg5[%dma_wait3A_338, %dma_wait3A_339] : memref<26x128xi32, #tpu.memory_space<vmem>> -> memref<1x128xi32, #tpu.memory_space<vmem>>
    %dma_wait3A_341 = tpu.memref_squeeze %dma_wait3A_340 : memref<1x128xi32, #tpu.memory_space<vmem>> -> memref<128xi32, #tpu.memory_space<vmem>>
    %dma_wait3A_342 = tpu.memref_slice %arg2[%dma_wait3A_337, %mul3A_2] : memref<26x4096xi32, #tpu.memory_space<hbm>> -> memref<1x128xi32, #tpu.memory_space<hbm>>
    %dma_wait3A_343 = tpu.memref_squeeze %dma_wait3A_342 : memref<1x128xi32, #tpu.memory_space<hbm>> -> memref<128xi32, #tpu.memory_space<hbm>>
    %dma_wait3A_344 = arith.constant 0 : i32
    %dma_wait3A_345 = tpu.memref_slice %arg5[%dma_wait3A_338, %dma_wait3A_344] : memref<26x128xi32, #tpu.memory_space<vmem>> -> memref<1x128xi32, #tpu.memory_space<vmem>>
    %dma_wait3A_346 = tpu.memref_squeeze %dma_wait3A_345 : memref<1x128xi32, #tpu.memory_space<vmem>> -> memref<128xi32, #tpu.memory_space<vmem>>
    %dma_wait3A_347 = tpu.memref_slice %arg2[%dma_wait3A_337, %mul3A_2] : memref<26x4096xi32, #tpu.memory_space<hbm>> -> memref<1x128xi32, #tpu.memory_space<hbm>>
    %dma_wait3A_348 = tpu.memref_squeeze %dma_wait3A_347 : memref<1x128xi32, #tpu.memory_space<hbm>> -> memref<128xi32, #tpu.memory_space<hbm>>
    tpu.wait_dma2 semaphore(%arg9 : memref<!tpu.dma_semaphore, #tpu.memory_space<semaphore_mem>>) src(%dma_wait3A_348 : memref<128xi32, #tpu.memory_space<hbm>>) dst(%dma_wait3A_346 : memref<128xi32, #tpu.memory_space<vmem>>)
    %dma_wait3A_349 = arith.constant 0 : i32
    %dma_wait3A_350 = arith.constant 0 : i32
    %dma_wait3A_351 = arith.constant 0 : i32
    %dma_wait3A_352 = tpu.memref_slice %arg5[%dma_wait3A_350, %dma_wait3A_351] : memref<26x128xi32, #tpu.memory_space<vmem>> -> memref<1x128xi32, #tpu.memory_space<vmem>>
    %dma_wait3A_353 = tpu.memref_squeeze %dma_wait3A_352 : memref<1x128xi32, #tpu.memory_space<vmem>> -> memref<128xi32, #tpu.memory_space<vmem>>
    %dma_wait3A_354 = tpu.memref_slice %arg2[%dma_wait3A_349, %mul3A_2] : memref<26x4096xi32, #tpu.memory_space<hbm>> -> memref<1x128xi32, #tpu.memory_space<hbm>>
    %dma_wait3A_355 = tpu.memref_squeeze %dma_wait3A_354 : memref<1x128xi32, #tpu.memory_space<hbm>> -> memref<128xi32, #tpu.memory_space<hbm>>
    %dma_wait3A_356 = arith.constant 0 : i32
    %dma_wait3A_357 = tpu.memref_slice %arg5[%dma_wait3A_350, %dma_wait3A_356] : memref<26x128xi32, #tpu.memory_space<vmem>> -> memref<1x128xi32, #tpu.memory_space<vmem>>
    %dma_wait3A_358 = tpu.memref_squeeze %dma_wait3A_357 : memref<1x128xi32, #tpu.memory_space<vmem>> -> memref<128xi32, #tpu.memory_space<vmem>>
    %dma_wait3A_359 = tpu.memref_slice %arg2[%dma_wait3A_349, %mul3A_2] : memref<26x4096xi32, #tpu.memory_space<hbm>> -> memref<1x128xi32, #tpu.memory_space<hbm>>
    %dma_wait3A_360 = tpu.memref_squeeze %dma_wait3A_359 : memref<1x128xi32, #tpu.memory_space<hbm>> -> memref<128xi32, #tpu.memory_space<hbm>>
    tpu.wait_dma2 semaphore(%arg9 : memref<!tpu.dma_semaphore, #tpu.memory_space<semaphore_mem>>) src(%dma_wait3A_360 : memref<128xi32, #tpu.memory_space<hbm>>) dst(%dma_wait3A_358 : memref<128xi32, #tpu.memory_space<vmem>>)
    %dma_wait3A_361 = arith.constant 0 : i32
    %dma_wait3A_362 = arith.constant 0 : i32
    %dma_wait3A_363 = arith.constant 0 : i32
    %dma_wait3A_364 = tpu.memref_slice %arg5[%dma_wait3A_362, %dma_wait3A_363] : memref<26x128xi32, #tpu.memory_space<vmem>> -> memref<1x128xi32, #tpu.memory_space<vmem>>
    %dma_wait3A_365 = tpu.memref_squeeze %dma_wait3A_364 : memref<1x128xi32, #tpu.memory_space<vmem>> -> memref<128xi32, #tpu.memory_space<vmem>>
    %dma_wait3A_366 = tpu.memref_slice %arg2[%dma_wait3A_361, %mul3A_2] : memref<26x4096xi32, #tpu.memory_space<hbm>> -> memref<1x128xi32, #tpu.memory_space<hbm>>
    %dma_wait3A_367 = tpu.memref_squeeze %dma_wait3A_366 : memref<1x128xi32, #tpu.memory_space<hbm>> -> memref<128xi32, #tpu.memory_space<hbm>>
    %dma_wait3A_368 = arith.constant 0 : i32
    %dma_wait3A_369 = tpu.memref_slice %arg5[%dma_wait3A_362, %dma_wait3A_368] : memref<26x128xi32, #tpu.memory_space<vmem>> -> memref<1x128xi32, #tpu.memory_space<vmem>>
    %dma_wait3A_370 = tpu.memref_squeeze %dma_wait3A_369 : memref<1x128xi32, #tpu.memory_space<vmem>> -> memref<128xi32, #tpu.memory_space<vmem>>
    %dma_wait3A_371 = tpu.memref_slice %arg2[%dma_wait3A_361, %mul3A_2] : memref<26x4096xi32, #tpu.memory_space<hbm>> -> memref<1x128xi32, #tpu.memory_space<hbm>>
    %dma_wait3A_372 = tpu.memref_squeeze %dma_wait3A_371 : memref<1x128xi32, #tpu.memory_space<hbm>> -> memref<128xi32, #tpu.memory_space<hbm>>
    tpu.wait_dma2 semaphore(%arg9 : memref<!tpu.dma_semaphore, #tpu.memory_space<semaphore_mem>>) src(%dma_wait3A_372 : memref<128xi32, #tpu.memory_space<hbm>>) dst(%dma_wait3A_370 : memref<128xi32, #tpu.memory_space<vmem>>)
    %dma_wait3A_373 = arith.constant 0 : i32
    %dma_wait3A_374 = arith.constant 0 : i32
    %dma_wait3A_375 = arith.constant 0 : i32
    %dma_wait3A_376 = tpu.memref_slice %arg5[%dma_wait3A_374, %dma_wait3A_375] : memref<26x128xi32, #tpu.memory_space<vmem>> -> memref<1x128xi32, #tpu.memory_space<vmem>>
    %dma_wait3A_377 = tpu.memref_squeeze %dma_wait3A_376 : memref<1x128xi32, #tpu.memory_space<vmem>> -> memref<128xi32, #tpu.memory_space<vmem>>
    %dma_wait3A_378 = tpu.memref_slice %arg2[%dma_wait3A_373, %mul3A_2] : memref<26x4096xi32, #tpu.memory_space<hbm>> -> memref<1x128xi32, #tpu.memory_space<hbm>>
    %dma_wait3A_379 = tpu.memref_squeeze %dma_wait3A_378 : memref<1x128xi32, #tpu.memory_space<hbm>> -> memref<128xi32, #tpu.memory_space<hbm>>
    %dma_wait3A_380 = arith.constant 0 : i32
    %dma_wait3A_381 = tpu.memref_slice %arg5[%dma_wait3A_374, %dma_wait3A_380] : memref<26x128xi32, #tpu.memory_space<vmem>> -> memref<1x128xi32, #tpu.memory_space<vmem>>
    %dma_wait3A_382 = tpu.memref_squeeze %dma_wait3A_381 : memref<1x128xi32, #tpu.memory_space<vmem>> -> memref<128xi32, #tpu.memory_space<vmem>>
    %dma_wait3A_383 = tpu.memref_slice %arg2[%dma_wait3A_373, %mul3A_2] : memref<26x4096xi32, #tpu.memory_space<hbm>> -> memref<1x128xi32, #tpu.memory_space<hbm>>
    %dma_wait3A_384 = tpu.memref_squeeze %dma_wait3A_383 : memref<1x128xi32, #tpu.memory_space<hbm>> -> memref<128xi32, #tpu.memory_space<hbm>>
    tpu.wait_dma2 semaphore(%arg9 : memref<!tpu.dma_semaphore, #tpu.memory_space<semaphore_mem>>) src(%dma_wait3A_384 : memref<128xi32, #tpu.memory_space<hbm>>) dst(%dma_wait3A_382 : memref<128xi32, #tpu.memory_space<vmem>>)
    %dma_wait3A_385 = arith.constant 0 : i32
    %dma_wait3A_386 = arith.constant 0 : i32
    %dma_wait3A_387 = arith.constant 0 : i32
    %dma_wait3A_388 = tpu.memref_slice %arg5[%dma_wait3A_386, %dma_wait3A_387] : memref<26x128xi32, #tpu.memory_space<vmem>> -> memref<1x128xi32, #tpu.memory_space<vmem>>
    %dma_wait3A_389 = tpu.memref_squeeze %dma_wait3A_388 : memref<1x128xi32, #tpu.memory_space<vmem>> -> memref<128xi32, #tpu.memory_space<vmem>>
    %dma_wait3A_390 = tpu.memref_slice %arg2[%dma_wait3A_385, %mul3A_2] : memref<26x4096xi32, #tpu.memory_space<hbm>> -> memref<1x128xi32, #tpu.memory_space<hbm>>
    %dma_wait3A_391 = tpu.memref_squeeze %dma_wait3A_390 : memref<1x128xi32, #tpu.memory_space<hbm>> -> memref<128xi32, #tpu.memory_space<hbm>>
    %dma_wait3A_392 = arith.constant 0 : i32
    %dma_wait3A_393 = tpu.memref_slice %arg5[%dma_wait3A_386, %dma_wait3A_392] : memref<26x128xi32, #tpu.memory_space<vmem>> -> memref<1x128xi32, #tpu.memory_space<vmem>>
    %dma_wait3A_394 = tpu.memref_squeeze %dma_wait3A_393 : memref<1x128xi32, #tpu.memory_space<vmem>> -> memref<128xi32, #tpu.memory_space<vmem>>
    %dma_wait3A_395 = tpu.memref_slice %arg2[%dma_wait3A_385, %mul3A_2] : memref<26x4096xi32, #tpu.memory_space<hbm>> -> memref<1x128xi32, #tpu.memory_space<hbm>>
    %dma_wait3A_396 = tpu.memref_squeeze %dma_wait3A_395 : memref<1x128xi32, #tpu.memory_space<hbm>> -> memref<128xi32, #tpu.memory_space<hbm>>
    tpu.wait_dma2 semaphore(%arg9 : memref<!tpu.dma_semaphore, #tpu.memory_space<semaphore_mem>>) src(%dma_wait3A_396 : memref<128xi32, #tpu.memory_space<hbm>>) dst(%dma_wait3A_394 : memref<128xi32, #tpu.memory_space<vmem>>)
    %dma_wait3A_397 = arith.constant 0 : i32
    %dma_wait3A_398 = arith.constant 0 : i32
    %dma_wait3A_399 = arith.constant 0 : i32
    %dma_wait3A_400 = tpu.memref_slice %arg5[%dma_wait3A_398, %dma_wait3A_399] : memref<26x128xi32, #tpu.memory_space<vmem>> -> memref<1x128xi32, #tpu.memory_space<vmem>>
    %dma_wait3A_401 = tpu.memref_squeeze %dma_wait3A_400 : memref<1x128xi32, #tpu.memory_space<vmem>> -> memref<128xi32, #tpu.memory_space<vmem>>
    %dma_wait3A_402 = tpu.memref_slice %arg2[%dma_wait3A_397, %mul3A_2] : memref<26x4096xi32, #tpu.memory_space<hbm>> -> memref<1x128xi32, #tpu.memory_space<hbm>>
    %dma_wait3A_403 = tpu.memref_squeeze %dma_wait3A_402 : memref<1x128xi32, #tpu.memory_space<hbm>> -> memref<128xi32, #tpu.memory_space<hbm>>
    %dma_wait3A_404 = arith.constant 0 : i32
    %dma_wait3A_405 = tpu.memref_slice %arg5[%dma_wait3A_398, %dma_wait3A_404] : memref<26x128xi32, #tpu.memory_space<vmem>> -> memref<1x128xi32, #tpu.memory_space<vmem>>
    %dma_wait3A_406 = tpu.memref_squeeze %dma_wait3A_405 : memref<1x128xi32, #tpu.memory_space<vmem>> -> memref<128xi32, #tpu.memory_space<vmem>>
    %dma_wait3A_407 = tpu.memref_slice %arg2[%dma_wait3A_397, %mul3A_2] : memref<26x4096xi32, #tpu.memory_space<hbm>> -> memref<1x128xi32, #tpu.memory_space<hbm>>
    %dma_wait3A_408 = tpu.memref_squeeze %dma_wait3A_407 : memref<1x128xi32, #tpu.memory_space<hbm>> -> memref<128xi32, #tpu.memory_space<hbm>>
    tpu.wait_dma2 semaphore(%arg9 : memref<!tpu.dma_semaphore, #tpu.memory_space<semaphore_mem>>) src(%dma_wait3A_408 : memref<128xi32, #tpu.memory_space<hbm>>) dst(%dma_wait3A_406 : memref<128xi32, #tpu.memory_space<vmem>>)
    %dma_wait3A_409 = arith.constant 0 : i32
    %dma_wait3A_410 = arith.constant 0 : i32
    %dma_wait3A_411 = arith.constant 0 : i32
    %dma_wait3A_412 = tpu.memref_slice %arg5[%dma_wait3A_410, %dma_wait3A_411] : memref<26x128xi32, #tpu.memory_space<vmem>> -> memref<1x128xi32, #tpu.memory_space<vmem>>
    %dma_wait3A_413 = tpu.memref_squeeze %dma_wait3A_412 : memref<1x128xi32, #tpu.memory_space<vmem>> -> memref<128xi32, #tpu.memory_space<vmem>>
    %dma_wait3A_414 = tpu.memref_slice %arg2[%dma_wait3A_409, %mul3A_2] : memref<26x4096xi32, #tpu.memory_space<hbm>> -> memref<1x128xi32, #tpu.memory_space<hbm>>
    %dma_wait3A_415 = tpu.memref_squeeze %dma_wait3A_414 : memref<1x128xi32, #tpu.memory_space<hbm>> -> memref<128xi32, #tpu.memory_space<hbm>>
    %dma_wait3A_416 = arith.constant 0 : i32
    %dma_wait3A_417 = tpu.memref_slice %arg5[%dma_wait3A_410, %dma_wait3A_416] : memref<26x128xi32, #tpu.memory_space<vmem>> -> memref<1x128xi32, #tpu.memory_space<vmem>>
    %dma_wait3A_418 = tpu.memref_squeeze %dma_wait3A_417 : memref<1x128xi32, #tpu.memory_space<vmem>> -> memref<128xi32, #tpu.memory_space<vmem>>
    %dma_wait3A_419 = tpu.memref_slice %arg2[%dma_wait3A_409, %mul3A_2] : memref<26x4096xi32, #tpu.memory_space<hbm>> -> memref<1x128xi32, #tpu.memory_space<hbm>>
    %dma_wait3A_420 = tpu.memref_squeeze %dma_wait3A_419 : memref<1x128xi32, #tpu.memory_space<hbm>> -> memref<128xi32, #tpu.memory_space<hbm>>
    tpu.wait_dma2 semaphore(%arg9 : memref<!tpu.dma_semaphore, #tpu.memory_space<semaphore_mem>>) src(%dma_wait3A_420 : memref<128xi32, #tpu.memory_space<hbm>>) dst(%dma_wait3A_418 : memref<128xi32, #tpu.memory_space<vmem>>)
    %dma_wait3A_421 = arith.constant 0 : i32
    %dma_wait3A_422 = arith.constant 0 : i32
    %dma_wait3A_423 = arith.constant 0 : i32
    %dma_wait3A_424 = tpu.memref_slice %arg5[%dma_wait3A_422, %dma_wait3A_423] : memref<26x128xi32, #tpu.memory_space<vmem>> -> memref<1x128xi32, #tpu.memory_space<vmem>>
    %dma_wait3A_425 = tpu.memref_squeeze %dma_wait3A_424 : memref<1x128xi32, #tpu.memory_space<vmem>> -> memref<128xi32, #tpu.memory_space<vmem>>
    %dma_wait3A_426 = tpu.memref_slice %arg2[%dma_wait3A_421, %mul3A_2] : memref<26x4096xi32, #tpu.memory_space<hbm>> -> memref<1x128xi32, #tpu.memory_space<hbm>>
    %dma_wait3A_427 = tpu.memref_squeeze %dma_wait3A_426 : memref<1x128xi32, #tpu.memory_space<hbm>> -> memref<128xi32, #tpu.memory_space<hbm>>
    %dma_wait3A_428 = arith.constant 0 : i32
    %dma_wait3A_429 = tpu.memref_slice %arg5[%dma_wait3A_422, %dma_wait3A_428] : memref<26x128xi32, #tpu.memory_space<vmem>> -> memref<1x128xi32, #tpu.memory_space<vmem>>
    %dma_wait3A_430 = tpu.memref_squeeze %dma_wait3A_429 : memref<1x128xi32, #tpu.memory_space<vmem>> -> memref<128xi32, #tpu.memory_space<vmem>>
    %dma_wait3A_431 = tpu.memref_slice %arg2[%dma_wait3A_421, %mul3A_2] : memref<26x4096xi32, #tpu.memory_space<hbm>> -> memref<1x128xi32, #tpu.memory_space<hbm>>
    %dma_wait3A_432 = tpu.memref_squeeze %dma_wait3A_431 : memref<1x128xi32, #tpu.memory_space<hbm>> -> memref<128xi32, #tpu.memory_space<hbm>>
    tpu.wait_dma2 semaphore(%arg9 : memref<!tpu.dma_semaphore, #tpu.memory_space<semaphore_mem>>) src(%dma_wait3A_432 : memref<128xi32, #tpu.memory_space<hbm>>) dst(%dma_wait3A_430 : memref<128xi32, #tpu.memory_space<vmem>>)
    %dma_wait3A_433 = arith.constant 0 : i32
    %dma_wait3A_434 = arith.constant 0 : i32
    %dma_wait3A_435 = arith.constant 0 : i32
    %dma_wait3A_436 = tpu.memref_slice %arg5[%dma_wait3A_434, %dma_wait3A_435] : memref<26x128xi32, #tpu.memory_space<vmem>> -> memref<1x128xi32, #tpu.memory_space<vmem>>
    %dma_wait3A_437 = tpu.memref_squeeze %dma_wait3A_436 : memref<1x128xi32, #tpu.memory_space<vmem>> -> memref<128xi32, #tpu.memory_space<vmem>>
    %dma_wait3A_438 = tpu.memref_slice %arg2[%dma_wait3A_433, %mul3A_2] : memref<26x4096xi32, #tpu.memory_space<hbm>> -> memref<1x128xi32, #tpu.memory_space<hbm>>
    %dma_wait3A_439 = tpu.memref_squeeze %dma_wait3A_438 : memref<1x128xi32, #tpu.memory_space<hbm>> -> memref<128xi32, #tpu.memory_space<hbm>>
    %dma_wait3A_440 = arith.constant 0 : i32
    %dma_wait3A_441 = tpu.memref_slice %arg5[%dma_wait3A_434, %dma_wait3A_440] : memref<26x128xi32, #tpu.memory_space<vmem>> -> memref<1x128xi32, #tpu.memory_space<vmem>>
    %dma_wait3A_442 = tpu.memref_squeeze %dma_wait3A_441 : memref<1x128xi32, #tpu.memory_space<vmem>> -> memref<128xi32, #tpu.memory_space<vmem>>
    %dma_wait3A_443 = tpu.memref_slice %arg2[%dma_wait3A_433, %mul3A_2] : memref<26x4096xi32, #tpu.memory_space<hbm>> -> memref<1x128xi32, #tpu.memory_space<hbm>>
    %dma_wait3A_444 = tpu.memref_squeeze %dma_wait3A_443 : memref<1x128xi32, #tpu.memory_space<hbm>> -> memref<128xi32, #tpu.memory_space<hbm>>
    tpu.wait_dma2 semaphore(%arg9 : memref<!tpu.dma_semaphore, #tpu.memory_space<semaphore_mem>>) src(%dma_wait3A_444 : memref<128xi32, #tpu.memory_space<hbm>>) dst(%dma_wait3A_442 : memref<128xi32, #tpu.memory_space<vmem>>)
    %dma_wait3A_445 = arith.constant 0 : i32
    %dma_wait3A_446 = arith.constant 0 : i32
    %dma_wait3A_447 = arith.constant 0 : i32
    %dma_wait3A_448 = tpu.memref_slice %arg5[%dma_wait3A_446, %dma_wait3A_447] : memref<26x128xi32, #tpu.memory_space<vmem>> -> memref<1x128xi32, #tpu.memory_space<vmem>>
    %dma_wait3A_449 = tpu.memref_squeeze %dma_wait3A_448 : memref<1x128xi32, #tpu.memory_space<vmem>> -> memref<128xi32, #tpu.memory_space<vmem>>
    %dma_wait3A_450 = tpu.memref_slice %arg2[%dma_wait3A_445, %mul3A_2] : memref<26x4096xi32, #tpu.memory_space<hbm>> -> memref<1x128xi32, #tpu.memory_space<hbm>>
    %dma_wait3A_451 = tpu.memref_squeeze %dma_wait3A_450 : memref<1x128xi32, #tpu.memory_space<hbm>> -> memref<128xi32, #tpu.memory_space<hbm>>
    %dma_wait3A_452 = arith.constant 0 : i32
    %dma_wait3A_453 = tpu.memref_slice %arg5[%dma_wait3A_446, %dma_wait3A_452] : memref<26x128xi32, #tpu.memory_space<vmem>> -> memref<1x128xi32, #tpu.memory_space<vmem>>
    %dma_wait3A_454 = tpu.memref_squeeze %dma_wait3A_453 : memref<1x128xi32, #tpu.memory_space<vmem>> -> memref<128xi32, #tpu.memory_space<vmem>>
    %dma_wait3A_455 = tpu.memref_slice %arg2[%dma_wait3A_445, %mul3A_2] : memref<26x4096xi32, #tpu.memory_space<hbm>> -> memref<1x128xi32, #tpu.memory_space<hbm>>
    %dma_wait3A_456 = tpu.memref_squeeze %dma_wait3A_455 : memref<1x128xi32, #tpu.memory_space<hbm>> -> memref<128xi32, #tpu.memory_space<hbm>>
    tpu.wait_dma2 semaphore(%arg9 : memref<!tpu.dma_semaphore, #tpu.memory_space<semaphore_mem>>) src(%dma_wait3A_456 : memref<128xi32, #tpu.memory_space<hbm>>) dst(%dma_wait3A_454 : memref<128xi32, #tpu.memory_space<vmem>>)
    %dma_wait3A_457 = arith.constant 0 : i32
    %dma_wait3A_458 = arith.constant 0 : i32
    %dma_wait3A_459 = arith.constant 0 : i32
    %dma_wait3A_460 = tpu.memref_slice %arg5[%dma_wait3A_458, %dma_wait3A_459] : memref<26x128xi32, #tpu.memory_space<vmem>> -> memref<1x128xi32, #tpu.memory_space<vmem>>
    %dma_wait3A_461 = tpu.memref_squeeze %dma_wait3A_460 : memref<1x128xi32, #tpu.memory_space<vmem>> -> memref<128xi32, #tpu.memory_space<vmem>>
    %dma_wait3A_462 = tpu.memref_slice %arg2[%dma_wait3A_457, %mul3A_2] : memref<26x4096xi32, #tpu.memory_space<hbm>> -> memref<1x128xi32, #tpu.memory_space<hbm>>
    %dma_wait3A_463 = tpu.memref_squeeze %dma_wait3A_462 : memref<1x128xi32, #tpu.memory_space<hbm>> -> memref<128xi32, #tpu.memory_space<hbm>>
    %dma_wait3A_464 = arith.constant 0 : i32
    %dma_wait3A_465 = tpu.memref_slice %arg5[%dma_wait3A_458, %dma_wait3A_464] : memref<26x128xi32, #tpu.memory_space<vmem>> -> memref<1x128xi32, #tpu.memory_space<vmem>>
    %dma_wait3A_466 = tpu.memref_squeeze %dma_wait3A_465 : memref<1x128xi32, #tpu.memory_space<vmem>> -> memref<128xi32, #tpu.memory_space<vmem>>
    %dma_wait3A_467 = tpu.memref_slice %arg2[%dma_wait3A_457, %mul3A_2] : memref<26x4096xi32, #tpu.memory_space<hbm>> -> memref<1x128xi32, #tpu.memory_space<hbm>>
    %dma_wait3A_468 = tpu.memref_squeeze %dma_wait3A_467 : memref<1x128xi32, #tpu.memory_space<hbm>> -> memref<128xi32, #tpu.memory_space<hbm>>
    tpu.wait_dma2 semaphore(%arg9 : memref<!tpu.dma_semaphore, #tpu.memory_space<semaphore_mem>>) src(%dma_wait3A_468 : memref<128xi32, #tpu.memory_space<hbm>>) dst(%dma_wait3A_466 : memref<128xi32, #tpu.memory_space<vmem>>)
    %dma_wait3A_469 = arith.constant 0 : i32
    %dma_wait3A_470 = arith.constant 0 : i32
    %dma_wait3A_471 = arith.constant 0 : i32
    %dma_wait3A_472 = tpu.memref_slice %arg5[%dma_wait3A_470, %dma_wait3A_471] : memref<26x128xi32, #tpu.memory_space<vmem>> -> memref<1x128xi32, #tpu.memory_space<vmem>>
    %dma_wait3A_473 = tpu.memref_squeeze %dma_wait3A_472 : memref<1x128xi32, #tpu.memory_space<vmem>> -> memref<128xi32, #tpu.memory_space<vmem>>
    %dma_wait3A_474 = tpu.memref_slice %arg2[%dma_wait3A_469, %mul3A_2] : memref<26x4096xi32, #tpu.memory_space<hbm>> -> memref<1x128xi32, #tpu.memory_space<hbm>>
    %dma_wait3A_475 = tpu.memref_squeeze %dma_wait3A_474 : memref<1x128xi32, #tpu.memory_space<hbm>> -> memref<128xi32, #tpu.memory_space<hbm>>
    %dma_wait3A_476 = arith.constant 0 : i32
    %dma_wait3A_477 = tpu.memref_slice %arg5[%dma_wait3A_470, %dma_wait3A_476] : memref<26x128xi32, #tpu.memory_space<vmem>> -> memref<1x128xi32, #tpu.memory_space<vmem>>
    %dma_wait3A_478 = tpu.memref_squeeze %dma_wait3A_477 : memref<1x128xi32, #tpu.memory_space<vmem>> -> memref<128xi32, #tpu.memory_space<vmem>>
    %dma_wait3A_479 = tpu.memref_slice %arg2[%dma_wait3A_469, %mul3A_2] : memref<26x4096xi32, #tpu.memory_space<hbm>> -> memref<1x128xi32, #tpu.memory_space<hbm>>
    %dma_wait3A_480 = tpu.memref_squeeze %dma_wait3A_479 : memref<1x128xi32, #tpu.memory_space<hbm>> -> memref<128xi32, #tpu.memory_space<hbm>>
    tpu.wait_dma2 semaphore(%arg9 : memref<!tpu.dma_semaphore, #tpu.memory_space<semaphore_mem>>) src(%dma_wait3A_480 : memref<128xi32, #tpu.memory_space<hbm>>) dst(%dma_wait3A_478 : memref<128xi32, #tpu.memory_space<vmem>>)
    %dma_wait3A_481 = arith.constant 0 : i32
    %dma_wait3A_482 = arith.constant 0 : i32
    %dma_wait3A_483 = arith.constant 0 : i32
    %dma_wait3A_484 = tpu.memref_slice %arg5[%dma_wait3A_482, %dma_wait3A_483] : memref<26x128xi32, #tpu.memory_space<vmem>> -> memref<1x128xi32, #tpu.memory_space<vmem>>
    %dma_wait3A_485 = tpu.memref_squeeze %dma_wait3A_484 : memref<1x128xi32, #tpu.memory_space<vmem>> -> memref<128xi32, #tpu.memory_space<vmem>>
    %dma_wait3A_486 = tpu.memref_slice %arg2[%dma_wait3A_481, %mul3A_2] : memref<26x4096xi32, #tpu.memory_space<hbm>> -> memref<1x128xi32, #tpu.memory_space<hbm>>
    %dma_wait3A_487 = tpu.memref_squeeze %dma_wait3A_486 : memref<1x128xi32, #tpu.memory_space<hbm>> -> memref<128xi32, #tpu.memory_space<hbm>>
    %dma_wait3A_488 = arith.constant 0 : i32
    %dma_wait3A_489 = tpu.memref_slice %arg5[%dma_wait3A_482, %dma_wait3A_488] : memref<26x128xi32, #tpu.memory_space<vmem>> -> memref<1x128xi32, #tpu.memory_space<vmem>>
    %dma_wait3A_490 = tpu.memref_squeeze %dma_wait3A_489 : memref<1x128xi32, #tpu.memory_space<vmem>> -> memref<128xi32, #tpu.memory_space<vmem>>
    %dma_wait3A_491 = tpu.memref_slice %arg2[%dma_wait3A_481, %mul3A_2] : memref<26x4096xi32, #tpu.memory_space<hbm>> -> memref<1x128xi32, #tpu.memory_space<hbm>>
    %dma_wait3A_492 = tpu.memref_squeeze %dma_wait3A_491 : memref<1x128xi32, #tpu.memory_space<hbm>> -> memref<128xi32, #tpu.memory_space<hbm>>
    tpu.wait_dma2 semaphore(%arg9 : memref<!tpu.dma_semaphore, #tpu.memory_space<semaphore_mem>>) src(%dma_wait3A_492 : memref<128xi32, #tpu.memory_space<hbm>>) dst(%dma_wait3A_490 : memref<128xi32, #tpu.memory_space<vmem>>)
    %dma_wait3A_493 = arith.constant 0 : i32
    %dma_wait3A_494 = arith.constant 0 : i32
    %dma_wait3A_495 = arith.constant 0 : i32
    %dma_wait3A_496 = tpu.memref_slice %arg5[%dma_wait3A_494, %dma_wait3A_495] : memref<26x128xi32, #tpu.memory_space<vmem>> -> memref<1x128xi32, #tpu.memory_space<vmem>>
    %dma_wait3A_497 = tpu.memref_squeeze %dma_wait3A_496 : memref<1x128xi32, #tpu.memory_space<vmem>> -> memref<128xi32, #tpu.memory_space<vmem>>
    %dma_wait3A_498 = tpu.memref_slice %arg2[%dma_wait3A_493, %mul3A_2] : memref<26x4096xi32, #tpu.memory_space<hbm>> -> memref<1x128xi32, #tpu.memory_space<hbm>>
    %dma_wait3A_499 = tpu.memref_squeeze %dma_wait3A_498 : memref<1x128xi32, #tpu.memory_space<hbm>> -> memref<128xi32, #tpu.memory_space<hbm>>
    %dma_wait3A_500 = arith.constant 0 : i32
    %dma_wait3A_501 = tpu.memref_slice %arg5[%dma_wait3A_494, %dma_wait3A_500] : memref<26x128xi32, #tpu.memory_space<vmem>> -> memref<1x128xi32, #tpu.memory_space<vmem>>
    %dma_wait3A_502 = tpu.memref_squeeze %dma_wait3A_501 : memref<1x128xi32, #tpu.memory_space<vmem>> -> memref<128xi32, #tpu.memory_space<vmem>>
    %dma_wait3A_503 = tpu.memref_slice %arg2[%dma_wait3A_493, %mul3A_2] : memref<26x4096xi32, #tpu.memory_space<hbm>> -> memref<1x128xi32, #tpu.memory_space<hbm>>
    %dma_wait3A_504 = tpu.memref_squeeze %dma_wait3A_503 : memref<1x128xi32, #tpu.memory_space<hbm>> -> memref<128xi32, #tpu.memory_space<hbm>>
    tpu.wait_dma2 semaphore(%arg9 : memref<!tpu.dma_semaphore, #tpu.memory_space<semaphore_mem>>) src(%dma_wait3A_504 : memref<128xi32, #tpu.memory_space<hbm>>) dst(%dma_wait3A_502 : memref<128xi32, #tpu.memory_space<vmem>>)
    %dma_wait3A_505 = arith.constant 0 : i32
    %dma_wait3A_506 = arith.constant 0 : i32
    %dma_wait3A_507 = arith.constant 0 : i32
    %dma_wait3A_508 = tpu.memref_slice %arg5[%dma_wait3A_506, %dma_wait3A_507] : memref<26x128xi32, #tpu.memory_space<vmem>> -> memref<1x128xi32, #tpu.memory_space<vmem>>
    %dma_wait3A_509 = tpu.memref_squeeze %dma_wait3A_508 : memref<1x128xi32, #tpu.memory_space<vmem>> -> memref<128xi32, #tpu.memory_space<vmem>>
    %dma_wait3A_510 = tpu.memref_slice %arg2[%dma_wait3A_505, %mul3A_2] : memref<26x4096xi32, #tpu.memory_space<hbm>> -> memref<1x128xi32, #tpu.memory_space<hbm>>
    %dma_wait3A_511 = tpu.memref_squeeze %dma_wait3A_510 : memref<1x128xi32, #tpu.memory_space<hbm>> -> memref<128xi32, #tpu.memory_space<hbm>>
    %dma_wait3A_512 = arith.constant 0 : i32
    %dma_wait3A_513 = tpu.memref_slice %arg5[%dma_wait3A_506, %dma_wait3A_512] : memref<26x128xi32, #tpu.memory_space<vmem>> -> memref<1x128xi32, #tpu.memory_space<vmem>>
    %dma_wait3A_514 = tpu.memref_squeeze %dma_wait3A_513 : memref<1x128xi32, #tpu.memory_space<vmem>> -> memref<128xi32, #tpu.memory_space<vmem>>
    %dma_wait3A_515 = tpu.memref_slice %arg2[%dma_wait3A_505, %mul3A_2] : memref<26x4096xi32, #tpu.memory_space<hbm>> -> memref<1x128xi32, #tpu.memory_space<hbm>>
    %dma_wait3A_516 = tpu.memref_squeeze %dma_wait3A_515 : memref<1x128xi32, #tpu.memory_space<hbm>> -> memref<128xi32, #tpu.memory_space<hbm>>
    tpu.wait_dma2 semaphore(%arg9 : memref<!tpu.dma_semaphore, #tpu.memory_space<semaphore_mem>>) src(%dma_wait3A_516 : memref<128xi32, #tpu.memory_space<hbm>>) dst(%dma_wait3A_514 : memref<128xi32, #tpu.memory_space<vmem>>)
    %dma_wait3A_517 = arith.constant 0 : i32
    %dma_wait3A_518 = arith.constant 0 : i32
    %dma_wait3A_519 = arith.constant 0 : i32
    %dma_wait3A_520 = tpu.memref_slice %arg5[%dma_wait3A_518, %dma_wait3A_519] : memref<26x128xi32, #tpu.memory_space<vmem>> -> memref<1x128xi32, #tpu.memory_space<vmem>>
    %dma_wait3A_521 = tpu.memref_squeeze %dma_wait3A_520 : memref<1x128xi32, #tpu.memory_space<vmem>> -> memref<128xi32, #tpu.memory_space<vmem>>
    %dma_wait3A_522 = tpu.memref_slice %arg2[%dma_wait3A_517, %mul3A_2] : memref<26x4096xi32, #tpu.memory_space<hbm>> -> memref<1x128xi32, #tpu.memory_space<hbm>>
    %dma_wait3A_523 = tpu.memref_squeeze %dma_wait3A_522 : memref<1x128xi32, #tpu.memory_space<hbm>> -> memref<128xi32, #tpu.memory_space<hbm>>
    %dma_wait3A_524 = arith.constant 0 : i32
    %dma_wait3A_525 = tpu.memref_slice %arg5[%dma_wait3A_518, %dma_wait3A_524] : memref<26x128xi32, #tpu.memory_space<vmem>> -> memref<1x128xi32, #tpu.memory_space<vmem>>
    %dma_wait3A_526 = tpu.memref_squeeze %dma_wait3A_525 : memref<1x128xi32, #tpu.memory_space<vmem>> -> memref<128xi32, #tpu.memory_space<vmem>>
    %dma_wait3A_527 = tpu.memref_slice %arg2[%dma_wait3A_517, %mul3A_2] : memref<26x4096xi32, #tpu.memory_space<hbm>> -> memref<1x128xi32, #tpu.memory_space<hbm>>
    %dma_wait3A_528 = tpu.memref_squeeze %dma_wait3A_527 : memref<1x128xi32, #tpu.memory_space<hbm>> -> memref<128xi32, #tpu.memory_space<hbm>>
    tpu.wait_dma2 semaphore(%arg9 : memref<!tpu.dma_semaphore, #tpu.memory_space<semaphore_mem>>) src(%dma_wait3A_528 : memref<128xi32, #tpu.memory_space<hbm>>) dst(%dma_wait3A_526 : memref<128xi32, #tpu.memory_space<vmem>>)
    %dma_wait3A_529 = arith.constant 0 : i32
    %dma_wait3A_530 = arith.constant 0 : i32
    %dma_wait3A_531 = arith.constant 0 : i32
    %dma_wait3A_532 = tpu.memref_slice %arg5[%dma_wait3A_530, %dma_wait3A_531] : memref<26x128xi32, #tpu.memory_space<vmem>> -> memref<1x128xi32, #tpu.memory_space<vmem>>
    %dma_wait3A_533 = tpu.memref_squeeze %dma_wait3A_532 : memref<1x128xi32, #tpu.memory_space<vmem>> -> memref<128xi32, #tpu.memory_space<vmem>>
    %dma_wait3A_534 = tpu.memref_slice %arg2[%dma_wait3A_529, %mul3A_2] : memref<26x4096xi32, #tpu.memory_space<hbm>> -> memref<1x128xi32, #tpu.memory_space<hbm>>
    %dma_wait3A_535 = tpu.memref_squeeze %dma_wait3A_534 : memref<1x128xi32, #tpu.memory_space<hbm>> -> memref<128xi32, #tpu.memory_space<hbm>>
    %dma_wait3A_536 = arith.constant 0 : i32
    %dma_wait3A_537 = tpu.memref_slice %arg5[%dma_wait3A_530, %dma_wait3A_536] : memref<26x128xi32, #tpu.memory_space<vmem>> -> memref<1x128xi32, #tpu.memory_space<vmem>>
    %dma_wait3A_538 = tpu.memref_squeeze %dma_wait3A_537 : memref<1x128xi32, #tpu.memory_space<vmem>> -> memref<128xi32, #tpu.memory_space<vmem>>
    %dma_wait3A_539 = tpu.memref_slice %arg2[%dma_wait3A_529, %mul3A_2] : memref<26x4096xi32, #tpu.memory_space<hbm>> -> memref<1x128xi32, #tpu.memory_space<hbm>>
    %dma_wait3A_540 = tpu.memref_squeeze %dma_wait3A_539 : memref<1x128xi32, #tpu.memory_space<hbm>> -> memref<128xi32, #tpu.memory_space<hbm>>
    tpu.wait_dma2 semaphore(%arg9 : memref<!tpu.dma_semaphore, #tpu.memory_space<semaphore_mem>>) src(%dma_wait3A_540 : memref<128xi32, #tpu.memory_space<hbm>>) dst(%dma_wait3A_538 : memref<128xi32, #tpu.memory_space<vmem>>)
    %dma_wait3A_541 = arith.constant 0 : i32
    %dma_wait3A_542 = arith.constant 0 : i32
    %dma_wait3A_543 = arith.constant 0 : i32
    %dma_wait3A_544 = tpu.memref_slice %arg5[%dma_wait3A_542, %dma_wait3A_543] : memref<26x128xi32, #tpu.memory_space<vmem>> -> memref<1x128xi32, #tpu.memory_space<vmem>>
    %dma_wait3A_545 = tpu.memref_squeeze %dma_wait3A_544 : memref<1x128xi32, #tpu.memory_space<vmem>> -> memref<128xi32, #tpu.memory_space<vmem>>
    %dma_wait3A_546 = tpu.memref_slice %arg2[%dma_wait3A_541, %mul3A_2] : memref<26x4096xi32, #tpu.memory_space<hbm>> -> memref<1x128xi32, #tpu.memory_space<hbm>>
    %dma_wait3A_547 = tpu.memref_squeeze %dma_wait3A_546 : memref<1x128xi32, #tpu.memory_space<hbm>> -> memref<128xi32, #tpu.memory_space<hbm>>
    %dma_wait3A_548 = arith.constant 0 : i32
    %dma_wait3A_549 = tpu.memref_slice %arg5[%dma_wait3A_542, %dma_wait3A_548] : memref<26x128xi32, #tpu.memory_space<vmem>> -> memref<1x128xi32, #tpu.memory_space<vmem>>
    %dma_wait3A_550 = tpu.memref_squeeze %dma_wait3A_549 : memref<1x128xi32, #tpu.memory_space<vmem>> -> memref<128xi32, #tpu.memory_space<vmem>>
    %dma_wait3A_551 = tpu.memref_slice %arg2[%dma_wait3A_541, %mul3A_2] : memref<26x4096xi32, #tpu.memory_space<hbm>> -> memref<1x128xi32, #tpu.memory_space<hbm>>
    %dma_wait3A_552 = tpu.memref_squeeze %dma_wait3A_551 : memref<1x128xi32, #tpu.memory_space<hbm>> -> memref<128xi32, #tpu.memory_space<hbm>>
    tpu.wait_dma2 semaphore(%arg9 : memref<!tpu.dma_semaphore, #tpu.memory_space<semaphore_mem>>) src(%dma_wait3A_552 : memref<128xi32, #tpu.memory_space<hbm>>) dst(%dma_wait3A_550 : memref<128xi32, #tpu.memory_space<vmem>>)
    %dma_wait3A_553 = arith.constant 0 : i32
    %dma_wait3A_554 = arith.constant 0 : i32
    %dma_wait3A_555 = arith.constant 0 : i32
    %dma_wait3A_556 = tpu.memref_slice %arg5[%dma_wait3A_554, %dma_wait3A_555] : memref<26x128xi32, #tpu.memory_space<vmem>> -> memref<1x128xi32, #tpu.memory_space<vmem>>
    %dma_wait3A_557 = tpu.memref_squeeze %dma_wait3A_556 : memref<1x128xi32, #tpu.memory_space<vmem>> -> memref<128xi32, #tpu.memory_space<vmem>>
    %dma_wait3A_558 = tpu.memref_slice %arg2[%dma_wait3A_553, %mul3A_2] : memref<26x4096xi32, #tpu.memory_space<hbm>> -> memref<1x128xi32, #tpu.memory_space<hbm>>
    %dma_wait3A_559 = tpu.memref_squeeze %dma_wait3A_558 : memref<1x128xi32, #tpu.memory_space<hbm>> -> memref<128xi32, #tpu.memory_space<hbm>>
    %dma_wait3A_560 = arith.constant 0 : i32
    %dma_wait3A_561 = tpu.memref_slice %arg5[%dma_wait3A_554, %dma_wait3A_560] : memref<26x128xi32, #tpu.memory_space<vmem>> -> memref<1x128xi32, #tpu.memory_space<vmem>>
    %dma_wait3A_562 = tpu.memref_squeeze %dma_wait3A_561 : memref<1x128xi32, #tpu.memory_space<vmem>> -> memref<128xi32, #tpu.memory_space<vmem>>
    %dma_wait3A_563 = tpu.memref_slice %arg2[%dma_wait3A_553, %mul3A_2] : memref<26x4096xi32, #tpu.memory_space<hbm>> -> memref<1x128xi32, #tpu.memory_space<hbm>>
    %dma_wait3A_564 = tpu.memref_squeeze %dma_wait3A_563 : memref<1x128xi32, #tpu.memory_space<hbm>> -> memref<128xi32, #tpu.memory_space<hbm>>
    tpu.wait_dma2 semaphore(%arg9 : memref<!tpu.dma_semaphore, #tpu.memory_space<semaphore_mem>>) src(%dma_wait3A_564 : memref<128xi32, #tpu.memory_space<hbm>>) dst(%dma_wait3A_562 : memref<128xi32, #tpu.memory_space<vmem>>)
    %dma_wait3A_565 = arith.constant 0 : i32
    %dma_wait3A_566 = arith.constant 0 : i32
    %dma_wait3A_567 = arith.constant 0 : i32
    %dma_wait3A_568 = tpu.memref_slice %arg5[%dma_wait3A_566, %dma_wait3A_567] : memref<26x128xi32, #tpu.memory_space<vmem>> -> memref<1x128xi32, #tpu.memory_space<vmem>>
    %dma_wait3A_569 = tpu.memref_squeeze %dma_wait3A_568 : memref<1x128xi32, #tpu.memory_space<vmem>> -> memref<128xi32, #tpu.memory_space<vmem>>
    %dma_wait3A_570 = tpu.memref_slice %arg2[%dma_wait3A_565, %mul3A_2] : memref<26x4096xi32, #tpu.memory_space<hbm>> -> memref<1x128xi32, #tpu.memory_space<hbm>>
    %dma_wait3A_571 = tpu.memref_squeeze %dma_wait3A_570 : memref<1x128xi32, #tpu.memory_space<hbm>> -> memref<128xi32, #tpu.memory_space<hbm>>
    %dma_wait3A_572 = arith.constant 0 : i32
    %dma_wait3A_573 = tpu.memref_slice %arg5[%dma_wait3A_566, %dma_wait3A_572] : memref<26x128xi32, #tpu.memory_space<vmem>> -> memref<1x128xi32, #tpu.memory_space<vmem>>
    %dma_wait3A_574 = tpu.memref_squeeze %dma_wait3A_573 : memref<1x128xi32, #tpu.memory_space<vmem>> -> memref<128xi32, #tpu.memory_space<vmem>>
    %dma_wait3A_575 = tpu.memref_slice %arg2[%dma_wait3A_565, %mul3A_2] : memref<26x4096xi32, #tpu.memory_space<hbm>> -> memref<1x128xi32, #tpu.memory_space<hbm>>
    %dma_wait3A_576 = tpu.memref_squeeze %dma_wait3A_575 : memref<1x128xi32, #tpu.memory_space<hbm>> -> memref<128xi32, #tpu.memory_space<hbm>>
    tpu.wait_dma2 semaphore(%arg9 : memref<!tpu.dma_semaphore, #tpu.memory_space<semaphore_mem>>) src(%dma_wait3A_576 : memref<128xi32, #tpu.memory_space<hbm>>) dst(%dma_wait3A_574 : memref<128xi32, #tpu.memory_space<vmem>>)
    %dma_wait3A_577 = arith.constant 0 : i32
    %dma_wait3A_578 = arith.constant 0 : i32
    %dma_wait3A_579 = arith.constant 0 : i32
    %dma_wait3A_580 = tpu.memref_slice %arg5[%dma_wait3A_578, %dma_wait3A_579] : memref<26x128xi32, #tpu.memory_space<vmem>> -> memref<1x128xi32, #tpu.memory_space<vmem>>
    %dma_wait3A_581 = tpu.memref_squeeze %dma_wait3A_580 : memref<1x128xi32, #tpu.memory_space<vmem>> -> memref<128xi32, #tpu.memory_space<vmem>>
    %dma_wait3A_582 = tpu.memref_slice %arg2[%dma_wait3A_577, %mul3A_2] : memref<26x4096xi32, #tpu.memory_space<hbm>> -> memref<1x128xi32, #tpu.memory_space<hbm>>
    %dma_wait3A_583 = tpu.memref_squeeze %dma_wait3A_582 : memref<1x128xi32, #tpu.memory_space<hbm>> -> memref<128xi32, #tpu.memory_space<hbm>>
    %dma_wait3A_584 = arith.constant 0 : i32
    %dma_wait3A_585 = tpu.memref_slice %arg5[%dma_wait3A_578, %dma_wait3A_584] : memref<26x128xi32, #tpu.memory_space<vmem>> -> memref<1x128xi32, #tpu.memory_space<vmem>>
    %dma_wait3A_586 = tpu.memref_squeeze %dma_wait3A_585 : memref<1x128xi32, #tpu.memory_space<vmem>> -> memref<128xi32, #tpu.memory_space<vmem>>
    %dma_wait3A_587 = tpu.memref_slice %arg2[%dma_wait3A_577, %mul3A_2] : memref<26x4096xi32, #tpu.memory_space<hbm>> -> memref<1x128xi32, #tpu.memory_space<hbm>>
    %dma_wait3A_588 = tpu.memref_squeeze %dma_wait3A_587 : memref<1x128xi32, #tpu.memory_space<hbm>> -> memref<128xi32, #tpu.memory_space<hbm>>
    tpu.wait_dma2 semaphore(%arg9 : memref<!tpu.dma_semaphore, #tpu.memory_space<semaphore_mem>>) src(%dma_wait3A_588 : memref<128xi32, #tpu.memory_space<hbm>>) dst(%dma_wait3A_586 : memref<128xi32, #tpu.memory_space<vmem>>)
    %dma_wait3A_589 = arith.constant 0 : i32
    %dma_wait3A_590 = arith.constant 0 : i32
    %dma_wait3A_591 = arith.constant 0 : i32
    %dma_wait3A_592 = tpu.memref_slice %arg5[%dma_wait3A_590, %dma_wait3A_591] : memref<26x128xi32, #tpu.memory_space<vmem>> -> memref<1x128xi32, #tpu.memory_space<vmem>>
    %dma_wait3A_593 = tpu.memref_squeeze %dma_wait3A_592 : memref<1x128xi32, #tpu.memory_space<vmem>> -> memref<128xi32, #tpu.memory_space<vmem>>
    %dma_wait3A_594 = tpu.memref_slice %arg2[%dma_wait3A_589, %mul3A_2] : memref<26x4096xi32, #tpu.memory_space<hbm>> -> memref<1x128xi32, #tpu.memory_space<hbm>>
    %dma_wait3A_595 = tpu.memref_squeeze %dma_wait3A_594 : memref<1x128xi32, #tpu.memory_space<hbm>> -> memref<128xi32, #tpu.memory_space<hbm>>
    %dma_wait3A_596 = arith.constant 0 : i32
    %dma_wait3A_597 = tpu.memref_slice %arg5[%dma_wait3A_590, %dma_wait3A_596] : memref<26x128xi32, #tpu.memory_space<vmem>> -> memref<1x128xi32, #tpu.memory_space<vmem>>
    %dma_wait3A_598 = tpu.memref_squeeze %dma_wait3A_597 : memref<1x128xi32, #tpu.memory_space<vmem>> -> memref<128xi32, #tpu.memory_space<vmem>>
    %dma_wait3A_599 = tpu.memref_slice %arg2[%dma_wait3A_589, %mul3A_2] : memref<26x4096xi32, #tpu.memory_space<hbm>> -> memref<1x128xi32, #tpu.memory_space<hbm>>
    %dma_wait3A_600 = tpu.memref_squeeze %dma_wait3A_599 : memref<1x128xi32, #tpu.memory_space<hbm>> -> memref<128xi32, #tpu.memory_space<hbm>>
    tpu.wait_dma2 semaphore(%arg9 : memref<!tpu.dma_semaphore, #tpu.memory_space<semaphore_mem>>) src(%dma_wait3A_600 : memref<128xi32, #tpu.memory_space<hbm>>) dst(%dma_wait3A_598 : memref<128xi32, #tpu.memory_space<vmem>>)
    %dma_wait3A_601 = arith.constant 0 : i32
    %dma_wait3A_602 = arith.constant 0 : i32
    %dma_wait3A_603 = arith.constant 0 : i32
    %dma_wait3A_604 = tpu.memref_slice %arg5[%dma_wait3A_602, %dma_wait3A_603] : memref<26x128xi32, #tpu.memory_space<vmem>> -> memref<1x128xi32, #tpu.memory_space<vmem>>
    %dma_wait3A_605 = tpu.memref_squeeze %dma_wait3A_604 : memref<1x128xi32, #tpu.memory_space<vmem>> -> memref<128xi32, #tpu.memory_space<vmem>>
    %dma_wait3A_606 = tpu.memref_slice %arg2[%dma_wait3A_601, %mul3A_2] : memref<26x4096xi32, #tpu.memory_space<hbm>> -> memref<1x128xi32, #tpu.memory_space<hbm>>
    %dma_wait3A_607 = tpu.memref_squeeze %dma_wait3A_606 : memref<1x128xi32, #tpu.memory_space<hbm>> -> memref<128xi32, #tpu.memory_space<hbm>>
    %dma_wait3A_608 = arith.constant 0 : i32
    %dma_wait3A_609 = tpu.memref_slice %arg5[%dma_wait3A_602, %dma_wait3A_608] : memref<26x128xi32, #tpu.memory_space<vmem>> -> memref<1x128xi32, #tpu.memory_space<vmem>>
    %dma_wait3A_610 = tpu.memref_squeeze %dma_wait3A_609 : memref<1x128xi32, #tpu.memory_space<vmem>> -> memref<128xi32, #tpu.memory_space<vmem>>
    %dma_wait3A_611 = tpu.memref_slice %arg2[%dma_wait3A_601, %mul3A_2] : memref<26x4096xi32, #tpu.memory_space<hbm>> -> memref<1x128xi32, #tpu.memory_space<hbm>>
    %dma_wait3A_612 = tpu.memref_squeeze %dma_wait3A_611 : memref<1x128xi32, #tpu.memory_space<hbm>> -> memref<128xi32, #tpu.memory_space<hbm>>
    tpu.wait_dma2 semaphore(%arg9 : memref<!tpu.dma_semaphore, #tpu.memory_space<semaphore_mem>>) src(%dma_wait3A_612 : memref<128xi32, #tpu.memory_space<hbm>>) dst(%dma_wait3A_610 : memref<128xi32, #tpu.memory_space<vmem>>)
    %dma_wait3A_613 = arith.constant 0 : i32
    %dma_wait3A_614 = arith.constant 0 : i32
    %dma_wait3A_615 = arith.constant 0 : i32
    %dma_wait3A_616 = tpu.memref_slice %arg5[%dma_wait3A_614, %dma_wait3A_615] : memref<26x128xi32, #tpu.memory_space<vmem>> -> memref<1x128xi32, #tpu.memory_space<vmem>>
    %dma_wait3A_617 = tpu.memref_squeeze %dma_wait3A_616 : memref<1x128xi32, #tpu.memory_space<vmem>> -> memref<128xi32, #tpu.memory_space<vmem>>
    %dma_wait3A_618 = tpu.memref_slice %arg2[%dma_wait3A_613, %mul3A_2] : memref<26x4096xi32, #tpu.memory_space<hbm>> -> memref<1x128xi32, #tpu.memory_space<hbm>>
    %dma_wait3A_619 = tpu.memref_squeeze %dma_wait3A_618 : memref<1x128xi32, #tpu.memory_space<hbm>> -> memref<128xi32, #tpu.memory_space<hbm>>
    %dma_wait3A_620 = arith.constant 0 : i32
    %dma_wait3A_621 = tpu.memref_slice %arg5[%dma_wait3A_614, %dma_wait3A_620] : memref<26x128xi32, #tpu.memory_space<vmem>> -> memref<1x128xi32, #tpu.memory_space<vmem>>
    %dma_wait3A_622 = tpu.memref_squeeze %dma_wait3A_621 : memref<1x128xi32, #tpu.memory_space<vmem>> -> memref<128xi32, #tpu.memory_space<vmem>>
    %dma_wait3A_623 = tpu.memref_slice %arg2[%dma_wait3A_613, %mul3A_2] : memref<26x4096xi32, #tpu.memory_space<hbm>> -> memref<1x128xi32, #tpu.memory_space<hbm>>
    %dma_wait3A_624 = tpu.memref_squeeze %dma_wait3A_623 : memref<1x128xi32, #tpu.memory_space<hbm>> -> memref<128xi32, #tpu.memory_space<hbm>>
    tpu.wait_dma2 semaphore(%arg9 : memref<!tpu.dma_semaphore, #tpu.memory_space<semaphore_mem>>) src(%dma_wait3A_624 : memref<128xi32, #tpu.memory_space<hbm>>) dst(%dma_wait3A_622 : memref<128xi32, #tpu.memory_space<vmem>>)
    %dma_start3A_625 = arith.constant 0 : i32
    %dma_start3A_626 = arith.constant 0 : i32
    %dma_start3A_627 = arith.constant 0 : i32
    %dma_start3A_628 = arith.constant 0 : i32
    %dma_start3A_629 = tpu.memref_slice %arg6[%dma_start3A_626, %dma_start3A_627, %dma_start3A_628] : memref<6x128x128xf32, #tpu.memory_space<vmem>> -> memref<1x128x128xf32, #tpu.memory_space<vmem>>
    %dma_start3A_630 = tpu.memref_squeeze %dma_start3A_629 : memref<1x128x128xf32, #tpu.memory_space<vmem>> -> memref<128x128xf32, #tpu.memory_space<vmem>>
    %dma_start3A_631 = arith.constant 0 : i32
    %dma_start3A_632 = tpu.memref_slice %arg5[%dma_start3A_625, %dma_start3A_631] : memref<26x128xi32, #tpu.memory_space<vmem>> -> memref<1x128xi32, #tpu.memory_space<vmem>>
    %dma_start3A_633 = tpu.memref_squeeze %dma_start3A_632 : memref<1x128xi32, #tpu.memory_space<vmem>> -> memref<128xi32, #tpu.memory_space<vmem>>
    %dma_start3A_634 = arith.constant 0 : i32
    %dma_start3A_635 = arith.constant 0 : i32
    %dma_start3A_636 = tpu.memref_slice %arg3[%dma_start3A_634, %dma_start3A_635] : memref<100000x128xf32, #tpu.memory_space<hbm>> -> memref<100000x128xf32, #tpu.memory_space<hbm>>
    tpu.enqueue_indirect_dma source(%dma_start3A_636 : memref<100000x128xf32, #tpu.memory_space<hbm>>) target(%dma_start3A_630 : memref<128x128xf32, #tpu.memory_space<vmem>>) offsets(%dma_start3A_633 : memref<128xi32, #tpu.memory_space<vmem>>) semaphore(%arg7 : memref<!tpu.dma_semaphore, #tpu.memory_space<semaphore_mem>>)
    %dma_start3A_637 = arith.constant 1 : i32
    %dma_start3A_638 = arith.constant 1 : i32
    %dma_start3A_639 = arith.constant 0 : i32
    %dma_start3A_640 = arith.constant 0 : i32
    %dma_start3A_641 = tpu.memref_slice %arg6[%dma_start3A_638, %dma_start3A_639, %dma_start3A_640] : memref<6x128x128xf32, #tpu.memory_space<vmem>> -> memref<1x128x128xf32, #tpu.memory_space<vmem>>
    %dma_start3A_642 = tpu.memref_squeeze %dma_start3A_641 : memref<1x128x128xf32, #tpu.memory_space<vmem>> -> memref<128x128xf32, #tpu.memory_space<vmem>>
    %dma_start3A_643 = arith.constant 0 : i32
    %dma_start3A_644 = tpu.memref_slice %arg5[%dma_start3A_637, %dma_start3A_643] : memref<26x128xi32, #tpu.memory_space<vmem>> -> memref<1x128xi32, #tpu.memory_space<vmem>>
    %dma_start3A_645 = tpu.memref_squeeze %dma_start3A_644 : memref<1x128xi32, #tpu.memory_space<vmem>> -> memref<128xi32, #tpu.memory_space<vmem>>
    %dma_start3A_646 = arith.constant 0 : i32
    %dma_start3A_647 = arith.constant 0 : i32
    %dma_start3A_648 = tpu.memref_slice %arg3[%dma_start3A_646, %dma_start3A_647] : memref<100000x128xf32, #tpu.memory_space<hbm>> -> memref<100000x128xf32, #tpu.memory_space<hbm>>
    tpu.enqueue_indirect_dma source(%dma_start3A_648 : memref<100000x128xf32, #tpu.memory_space<hbm>>) target(%dma_start3A_642 : memref<128x128xf32, #tpu.memory_space<vmem>>) offsets(%dma_start3A_645 : memref<128xi32, #tpu.memory_space<vmem>>) semaphore(%arg7 : memref<!tpu.dma_semaphore, #tpu.memory_space<semaphore_mem>>)
    %dma_start3A_649 = arith.constant 2 : i32
    %dma_start3A_650 = arith.constant 2 : i32
    %dma_start3A_651 = arith.constant 0 : i32
    %dma_start3A_652 = arith.constant 0 : i32
    %dma_start3A_653 = tpu.memref_slice %arg6[%dma_start3A_650, %dma_start3A_651, %dma_start3A_652] : memref<6x128x128xf32, #tpu.memory_space<vmem>> -> memref<1x128x128xf32, #tpu.memory_space<vmem>>
    %dma_start3A_654 = tpu.memref_squeeze %dma_start3A_653 : memref<1x128x128xf32, #tpu.memory_space<vmem>> -> memref<128x128xf32, #tpu.memory_space<vmem>>
    %dma_start3A_655 = arith.constant 0 : i32
    %dma_start3A_656 = tpu.memref_slice %arg5[%dma_start3A_649, %dma_start3A_655] : memref<26x128xi32, #tpu.memory_space<vmem>> -> memref<1x128xi32, #tpu.memory_space<vmem>>
    %dma_start3A_657 = tpu.memref_squeeze %dma_start3A_656 : memref<1x128xi32, #tpu.memory_space<vmem>> -> memref<128xi32, #tpu.memory_space<vmem>>
    %dma_start3A_658 = arith.constant 0 : i32
    %dma_start3A_659 = arith.constant 0 : i32
    %dma_start3A_660 = tpu.memref_slice %arg3[%dma_start3A_658, %dma_start3A_659] : memref<100000x128xf32, #tpu.memory_space<hbm>> -> memref<100000x128xf32, #tpu.memory_space<hbm>>
    tpu.enqueue_indirect_dma source(%dma_start3A_660 : memref<100000x128xf32, #tpu.memory_space<hbm>>) target(%dma_start3A_654 : memref<128x128xf32, #tpu.memory_space<vmem>>) offsets(%dma_start3A_657 : memref<128xi32, #tpu.memory_space<vmem>>) semaphore(%arg7 : memref<!tpu.dma_semaphore, #tpu.memory_space<semaphore_mem>>)
    %scan3A = arith.constant 0 : i32
    %scan3A_661 = arith.constant 0 : i32
    %scan3A_662 = arith.constant 26 : i32
    %scan3A_663 = arith.addi %scan3A_661, %scan3A_662 : i32
    %scan3A_664 = arith.constant 1 : i32
    scf.for %scan3A_720 = %scan3A_661 to %scan3A_663 step %scan3A_664  : i32 {
      %rem3A = arith.constant 6 : i32
      %rem3A_721 = arith.remsi %scan3A_720, %rem3A : i32
      %dma_wait3A_722 = arith.constant 0 : i32
      %dma_wait3A_723 = arith.constant 0 : i32
      %dma_wait3A_724 = tpu.memref_slice %arg6[%rem3A_721, %dma_wait3A_722, %dma_wait3A_723] : memref<6x128x128xf32, #tpu.memory_space<vmem>> -> memref<1x128x128xf32, #tpu.memory_space<vmem>>
      %dma_wait3A_725 = tpu.memref_squeeze %dma_wait3A_724 : memref<1x128x128xf32, #tpu.memory_space<vmem>> -> memref<128x128xf32, #tpu.memory_space<vmem>>
      %dma_wait3A_726 = arith.constant 0 : i32
      %dma_wait3A_727 = tpu.memref_slice %arg5[%scan3A_720, %dma_wait3A_726] : memref<26x128xi32, #tpu.memory_space<vmem>> -> memref<1x128xi32, #tpu.memory_space<vmem>>
      %dma_wait3A_728 = tpu.memref_squeeze %dma_wait3A_727 : memref<1x128xi32, #tpu.memory_space<vmem>> -> memref<128xi32, #tpu.memory_space<vmem>>
      %dma_wait3A_729 = arith.constant 0 : i32
      %dma_wait3A_730 = arith.constant 0 : i32
      %dma_wait3A_731 = tpu.memref_slice %arg3[%dma_wait3A_729, %dma_wait3A_730] : memref<100000x128xf32, #tpu.memory_space<hbm>> -> memref<100000x128xf32, #tpu.memory_space<hbm>>
      tpu.wait_indirect_dma semaphore(%arg7 : memref<!tpu.dma_semaphore, #tpu.memory_space<semaphore_mem>>) src(%dma_wait3A_731 : memref<100000x128xf32, #tpu.memory_space<hbm>>) dst(%dma_wait3A_725 : memref<128x128xf32, #tpu.memory_space<vmem>>)
      %dma_start3A_732 = arith.constant 0 : i32
      %dma_start3A_733 = arith.constant 0 : i32
      %dma_start3A_734 = tpu.memref_slice %arg6[%rem3A_721, %dma_start3A_732, %dma_start3A_733] : memref<6x128x128xf32, #tpu.memory_space<vmem>> -> memref<1x128x128xf32, #tpu.memory_space<vmem>>
      %dma_start3A_735 = tpu.memref_squeeze %dma_start3A_734 : memref<1x128x128xf32, #tpu.memory_space<vmem>> -> memref<128x128xf32, #tpu.memory_space<vmem>>
      %dma_start3A_736 = arith.constant 0 : i32
      %dma_start3A_737 = tpu.memref_slice %arg4[%scan3A_720, %mul3A_2, %dma_start3A_736] : memref<26x4096x128xf32, #tpu.memory_space<hbm>> -> memref<1x128x128xf32, #tpu.memory_space<hbm>>
      %dma_start3A_738 = tpu.memref_squeeze %dma_start3A_737 : memref<1x128x128xf32, #tpu.memory_space<hbm>> -> memref<128x128xf32, #tpu.memory_space<hbm>>
      %dma_start3A_739 = arith.constant 0 : i32
      %dma_start3A_740 = tpu.memref_slice %arg4[%scan3A_720, %mul3A_2, %dma_start3A_739] : memref<26x4096x128xf32, #tpu.memory_space<hbm>> -> memref<1x128x128xf32, #tpu.memory_space<hbm>>
      %dma_start3A_741 = tpu.memref_squeeze %dma_start3A_740 : memref<1x128x128xf32, #tpu.memory_space<hbm>> -> memref<128x128xf32, #tpu.memory_space<hbm>>
      %dma_start3A_742 = arith.constant 0 : i32
      %dma_start3A_743 = arith.constant 0 : i32
      %dma_start3A_744 = tpu.memref_slice %arg6[%rem3A_721, %dma_start3A_742, %dma_start3A_743] : memref<6x128x128xf32, #tpu.memory_space<vmem>> -> memref<1x128x128xf32, #tpu.memory_space<vmem>>
      %dma_start3A_745 = tpu.memref_squeeze %dma_start3A_744 : memref<1x128x128xf32, #tpu.memory_space<vmem>> -> memref<128x128xf32, #tpu.memory_space<vmem>>
      tpu.enqueue_dma source(%dma_start3A_745 : memref<128x128xf32, #tpu.memory_space<vmem>>) target(%dma_start3A_741 : memref<128x128xf32, #tpu.memory_space<hbm>>) target_semaphore(%arg8 : memref<!tpu.dma_semaphore, #tpu.memory_space<semaphore_mem>>)
      %ge3A = arith.constant 3 : i32
      %ge3A_746 = arith.cmpi sge, %scan3A_720, %ge3A : i32
      %convert_element_type3A = arith.extui %ge3A_746 : i1 to i32
      %cond3A = arith.constant 0 : i32
      %cond3A_747 = arith.cmpi ne, %convert_element_type3A, %cond3A : i32
      scf.if %cond3A_747 {
        %dma_wait3A_754 = arith.constant 0 : i32
        %dma_wait3A_755 = arith.constant 0 : i32
        %dma_wait3A_756 = arith.constant 0 : i32
        %dma_wait3A_757 = arith.constant 0 : i32
        %dma_wait3A_758 = tpu.memref_slice %arg6[%dma_wait3A_754, %dma_wait3A_756, %dma_wait3A_757] : memref<6x128x128xf32, #tpu.memory_space<vmem>> -> memref<1x128x128xf32, #tpu.memory_space<vmem>>
        %dma_wait3A_759 = tpu.memref_squeeze %dma_wait3A_758 : memref<1x128x128xf32, #tpu.memory_space<vmem>> -> memref<128x128xf32, #tpu.memory_space<vmem>>
        %dma_wait3A_760 = arith.constant 0 : i32
        %dma_wait3A_761 = arith.constant 0 : i32
        %dma_wait3A_762 = tpu.memref_slice %arg4[%dma_wait3A_755, %dma_wait3A_760, %dma_wait3A_761] : memref<26x4096x128xf32, #tpu.memory_space<hbm>> -> memref<1x128x128xf32, #tpu.memory_space<hbm>>
        %dma_wait3A_763 = tpu.memref_squeeze %dma_wait3A_762 : memref<1x128x128xf32, #tpu.memory_space<hbm>> -> memref<128x128xf32, #tpu.memory_space<hbm>>
        %dma_wait3A_764 = arith.constant 0 : i32
        %dma_wait3A_765 = arith.constant 0 : i32
        %dma_wait3A_766 = tpu.memref_slice %arg4[%dma_wait3A_755, %dma_wait3A_764, %dma_wait3A_765] : memref<26x4096x128xf32, #tpu.memory_space<hbm>> -> memref<1x128x128xf32, #tpu.memory_space<hbm>>
        %dma_wait3A_767 = tpu.memref_squeeze %dma_wait3A_766 : memref<1x128x128xf32, #tpu.memory_space<hbm>> -> memref<128x128xf32, #tpu.memory_space<hbm>>
        %dma_wait3A_768 = arith.constant 0 : i32
        %dma_wait3A_769 = arith.constant 0 : i32
        %dma_wait3A_770 = tpu.memref_slice %arg6[%dma_wait3A_754, %dma_wait3A_768, %dma_wait3A_769] : memref<6x128x128xf32, #tpu.memory_space<vmem>> -> memref<1x128x128xf32, #tpu.memory_space<vmem>>
        %dma_wait3A_771 = tpu.memref_squeeze %dma_wait3A_770 : memref<1x128x128xf32, #tpu.memory_space<vmem>> -> memref<128x128xf32, #tpu.memory_space<vmem>>
        tpu.wait_dma2 semaphore(%arg8 : memref<!tpu.dma_semaphore, #tpu.memory_space<semaphore_mem>>) src(%dma_wait3A_771 : memref<128x128xf32, #tpu.memory_space<vmem>>) dst(%dma_wait3A_767 : memref<128x128xf32, #tpu.memory_space<hbm>>)
      } else {
      }
      %add3A_748 = arith.constant 3 : i32
      %add3A_749 = arith.addi %scan3A_720, %add3A_748 : i32
      %lt3A = arith.constant 26 : i32
      %lt3A_750 = arith.cmpi slt, %add3A_749, %lt3A : i32
      %convert_element_type3A_751 = arith.extui %lt3A_750 : i1 to i32
      %cond3A_752 = arith.constant 0 : i32
      %cond3A_753 = arith.cmpi ne, %convert_element_type3A_751, %cond3A_752 : i32
      scf.if %cond3A_753 {
        %add3A_754 = arith.constant 3 : i32
        %add3A_755 = arith.addi %scan3A_720, %add3A_754 : i32
        %rem3A_756 = arith.constant 6 : i32
        %rem3A_757 = arith.remsi %add3A_755, %rem3A_756 : i32
        %dma_start3A_758 = arith.constant 0 : i32
        %dma_start3A_759 = arith.constant 0 : i32
        %dma_start3A_760 = tpu.memref_slice %arg6[%rem3A_757, %dma_start3A_758, %dma_start3A_759] : memref<6x128x128xf32, #tpu.memory_space<vmem>> -> memref<1x128x128xf32, #tpu.memory_space<vmem>>
        %dma_start3A_761 = tpu.memref_squeeze %dma_start3A_760 : memref<1x128x128xf32, #tpu.memory_space<vmem>> -> memref<128x128xf32, #tpu.memory_space<vmem>>
        %dma_start3A_762 = arith.constant 0 : i32
        %dma_start3A_763 = tpu.memref_slice %arg5[%add3A_755, %dma_start3A_762] : memref<26x128xi32, #tpu.memory_space<vmem>> -> memref<1x128xi32, #tpu.memory_space<vmem>>
        %dma_start3A_764 = tpu.memref_squeeze %dma_start3A_763 : memref<1x128xi32, #tpu.memory_space<vmem>> -> memref<128xi32, #tpu.memory_space<vmem>>
        %dma_start3A_765 = arith.constant 0 : i32
        %dma_start3A_766 = arith.constant 0 : i32
        %dma_start3A_767 = tpu.memref_slice %arg3[%dma_start3A_765, %dma_start3A_766] : memref<100000x128xf32, #tpu.memory_space<hbm>> -> memref<100000x128xf32, #tpu.memory_space<hbm>>
        tpu.enqueue_indirect_dma source(%dma_start3A_767 : memref<100000x128xf32, #tpu.memory_space<hbm>>) target(%dma_start3A_761 : memref<128x128xf32, #tpu.memory_space<vmem>>) offsets(%dma_start3A_764 : memref<128xi32, #tpu.memory_space<vmem>>) semaphore(%arg7 : memref<!tpu.dma_semaphore, #tpu.memory_space<semaphore_mem>>)
      } else {
      }
    }
    %scan3A_665 = arith.constant 26 : i32
    %dma_wait3A_666 = arith.constant 0 : i32
    %dma_wait3A_667 = arith.constant 0 : i32
    %dma_wait3A_668 = arith.constant 0 : i32
    %dma_wait3A_669 = arith.constant 0 : i32
    %dma_wait3A_670 = tpu.memref_slice %arg6[%dma_wait3A_666, %dma_wait3A_668, %dma_wait3A_669] : memref<6x128x128xf32, #tpu.memory_space<vmem>> -> memref<1x128x128xf32, #tpu.memory_space<vmem>>
    %dma_wait3A_671 = tpu.memref_squeeze %dma_wait3A_670 : memref<1x128x128xf32, #tpu.memory_space<vmem>> -> memref<128x128xf32, #tpu.memory_space<vmem>>
    %dma_wait3A_672 = arith.constant 0 : i32
    %dma_wait3A_673 = arith.constant 0 : i32
    %dma_wait3A_674 = tpu.memref_slice %arg4[%dma_wait3A_667, %dma_wait3A_672, %dma_wait3A_673] : memref<26x4096x128xf32, #tpu.memory_space<hbm>> -> memref<1x128x128xf32, #tpu.memory_space<hbm>>
    %dma_wait3A_675 = tpu.memref_squeeze %dma_wait3A_674 : memref<1x128x128xf32, #tpu.memory_space<hbm>> -> memref<128x128xf32, #tpu.memory_space<hbm>>
    %dma_wait3A_676 = arith.constant 0 : i32
    %dma_wait3A_677 = arith.constant 0 : i32
    %dma_wait3A_678 = tpu.memref_slice %arg4[%dma_wait3A_667, %dma_wait3A_676, %dma_wait3A_677] : memref<26x4096x128xf32, #tpu.memory_space<hbm>> -> memref<1x128x128xf32, #tpu.memory_space<hbm>>
    %dma_wait3A_679 = tpu.memref_squeeze %dma_wait3A_678 : memref<1x128x128xf32, #tpu.memory_space<hbm>> -> memref<128x128xf32, #tpu.memory_space<hbm>>
    %dma_wait3A_680 = arith.constant 0 : i32
    %dma_wait3A_681 = arith.constant 0 : i32
    %dma_wait3A_682 = tpu.memref_slice %arg6[%dma_wait3A_666, %dma_wait3A_680, %dma_wait3A_681] : memref<6x128x128xf32, #tpu.memory_space<vmem>> -> memref<1x128x128xf32, #tpu.memory_space<vmem>>
    %dma_wait3A_683 = tpu.memref_squeeze %dma_wait3A_682 : memref<1x128x128xf32, #tpu.memory_space<vmem>> -> memref<128x128xf32, #tpu.memory_space<vmem>>
    tpu.wait_dma2 semaphore(%arg8 : memref<!tpu.dma_semaphore, #tpu.memory_space<semaphore_mem>>) src(%dma_wait3A_683 : memref<128x128xf32, #tpu.memory_space<vmem>>) dst(%dma_wait3A_679 : memref<128x128xf32, #tpu.memory_space<hbm>>)
    %dma_wait3A_684 = arith.constant 0 : i32
    %dma_wait3A_685 = arith.constant 0 : i32
    %dma_wait3A_686 = arith.constant 0 : i32
    %dma_wait3A_687 = arith.constant 0 : i32
    %dma_wait3A_688 = tpu.memref_slice %arg6[%dma_wait3A_684, %dma_wait3A_686, %dma_wait3A_687] : memref<6x128x128xf32, #tpu.memory_space<vmem>> -> memref<1x128x128xf32, #tpu.memory_space<vmem>>
    %dma_wait3A_689 = tpu.memref_squeeze %dma_wait3A_688 : memref<1x128x128xf32, #tpu.memory_space<vmem>> -> memref<128x128xf32, #tpu.memory_space<vmem>>
    %dma_wait3A_690 = arith.constant 0 : i32
    %dma_wait3A_691 = arith.constant 0 : i32
    %dma_wait3A_692 = tpu.memref_slice %arg4[%dma_wait3A_685, %dma_wait3A_690, %dma_wait3A_691] : memref<26x4096x128xf32, #tpu.memory_space<hbm>> -> memref<1x128x128xf32, #tpu.memory_space<hbm>>
    %dma_wait3A_693 = tpu.memref_squeeze %dma_wait3A_692 : memref<1x128x128xf32, #tpu.memory_space<hbm>> -> memref<128x128xf32, #tpu.memory_space<hbm>>
    %dma_wait3A_694 = arith.constant 0 : i32
    %dma_wait3A_695 = arith.constant 0 : i32
    %dma_wait3A_696 = tpu.memref_slice %arg4[%dma_wait3A_685, %dma_wait3A_694, %dma_wait3A_695] : memref<26x4096x128xf32, #tpu.memory_space<hbm>> -> memref<1x128x128xf32, #tpu.memory_space<hbm>>
    %dma_wait3A_697 = tpu.memref_squeeze %dma_wait3A_696 : memref<1x128x128xf32, #tpu.memory_space<hbm>> -> memref<128x128xf32, #tpu.memory_space<hbm>>
    %dma_wait3A_698 = arith.constant 0 : i32
    %dma_wait3A_699 = arith.constant 0 : i32
    %dma_wait3A_700 = tpu.memref_slice %arg6[%dma_wait3A_684, %dma_wait3A_698, %dma_wait3A_699] : memref<6x128x128xf32, #tpu.memory_space<vmem>> -> memref<1x128x128xf32, #tpu.memory_space<vmem>>
    %dma_wait3A_701 = tpu.memref_squeeze %dma_wait3A_700 : memref<1x128x128xf32, #tpu.memory_space<vmem>> -> memref<128x128xf32, #tpu.memory_space<vmem>>
    tpu.wait_dma2 semaphore(%arg8 : memref<!tpu.dma_semaphore, #tpu.memory_space<semaphore_mem>>) src(%dma_wait3A_701 : memref<128x128xf32, #tpu.memory_space<vmem>>) dst(%dma_wait3A_697 : memref<128x128xf32, #tpu.memory_space<hbm>>)
    %dma_wait3A_702 = arith.constant 0 : i32
    %dma_wait3A_703 = arith.constant 0 : i32
    %dma_wait3A_704 = arith.constant 0 : i32
    %dma_wait3A_705 = arith.constant 0 : i32
    %dma_wait3A_706 = tpu.memref_slice %arg6[%dma_wait3A_702, %dma_wait3A_704, %dma_wait3A_705] : memref<6x128x128xf32, #tpu.memory_space<vmem>> -> memref<1x128x128xf32, #tpu.memory_space<vmem>>
    %dma_wait3A_707 = tpu.memref_squeeze %dma_wait3A_706 : memref<1x128x128xf32, #tpu.memory_space<vmem>> -> memref<128x128xf32, #tpu.memory_space<vmem>>
    %dma_wait3A_708 = arith.constant 0 : i32
    %dma_wait3A_709 = arith.constant 0 : i32
    %dma_wait3A_710 = tpu.memref_slice %arg4[%dma_wait3A_703, %dma_wait3A_708, %dma_wait3A_709] : memref<26x4096x128xf32, #tpu.memory_space<hbm>> -> memref<1x128x128xf32, #tpu.memory_space<hbm>>
    %dma_wait3A_711 = tpu.memref_squeeze %dma_wait3A_710 : memref<1x128x128xf32, #tpu.memory_space<hbm>> -> memref<128x128xf32, #tpu.memory_space<hbm>>
    %dma_wait3A_712 = arith.constant 0 : i32
    %dma_wait3A_713 = arith.constant 0 : i32
    %dma_wait3A_714 = tpu.memref_slice %arg4[%dma_wait3A_703, %dma_wait3A_712, %dma_wait3A_713] : memref<26x4096x128xf32, #tpu.memory_space<hbm>> -> memref<1x128x128xf32, #tpu.memory_space<hbm>>
    %dma_wait3A_715 = tpu.memref_squeeze %dma_wait3A_714 : memref<1x128x128xf32, #tpu.memory_space<hbm>> -> memref<128x128xf32, #tpu.memory_space<hbm>>
    %dma_wait3A_716 = arith.constant 0 : i32
    %dma_wait3A_717 = arith.constant 0 : i32
    %dma_wait3A_718 = tpu.memref_slice %arg6[%dma_wait3A_702, %dma_wait3A_716, %dma_wait3A_717] : memref<6x128x128xf32, #tpu.memory_space<vmem>> -> memref<1x128x128xf32, #tpu.memory_space<vmem>>
    %dma_wait3A_719 = tpu.memref_squeeze %dma_wait3A_718 : memref<1x128x128xf32, #tpu.memory_space<vmem>> -> memref<128x128xf32, #tpu.memory_space<vmem>>
    tpu.wait_dma2 semaphore(%arg8 : memref<!tpu.dma_semaphore, #tpu.memory_space<semaphore_mem>>) src(%dma_wait3A_719 : memref<128x128xf32, #tpu.memory_space<vmem>>) dst(%dma_wait3A_715 : memref<128x128xf32, #tpu.memory_space<hbm>>)
    return
  }
}

</mosaic_0001>

<sc_bundles>
// kernel: kernel.3.cloned.1.call-start
scs
__scs_entry_jumppad:
0x0: {  	(pc) =	sbr.rel $0x88, $3  }
0x1: {  	(tag) =	ssettag $0x0;
	lr =	simm.s32 $0x1  }
0x2: {  	[smem:$0x3F9F] =	sst lr;
	_ =	strace $0xD0000000  }
0x3: {  	_ = 	snop  }
0x4: {  	_ = 	snop  }
0x5: {  	_ = 	snop  }
0x6: {  	_ = 	snop  }
0x7: {  	_ = 	snop  }
__scs_overlays_trampoline_lowered:
0x8: {  	[smem:$0x3FAE] =	sst s0  }
0x9: {  	[smem:$0x3FAF] =	sst s1  }
0xa: {  	[smem:$0x3FB0] =	sst s2  }
0xb: {  	[smem:$0x3FB1] =	sst s3  }
0xc: {  	[smem:$0x3FB2] =	sst s4  }
0xd: {  	[smem:$0x3FB3] =	sst s5  }
0xe: {  	[smem:$0x3FB4] =	sst s6  }
0xf: {  	[smem:$0x3FB5] =	sst s7  }
0x10: {  	[smem:$0x3FB6] =	sst s8  }
0x11: {  	[smem:$0x3FB7] =	sst s9;
	s0 =	simm.s32 @!p0 $0x0  }
0x12: {  	s1 =	sld [smem:$0x3F9D];
	s0 =	simm.s32 @p0 $0x1  }
0x13: {  	[smem:$0x3FB8] =	sst s0;
	s0 =	simm.s32 @!p1 $0x0  }
0x14: {  	s2 =	sld [smem:$0x3F9C];
	s0 =	simm.s32 @p1 $0x1  }
0x15: {  	[smem:$0x3FB9] =	sst s0;
	s0 =	simm.s32 @!p2 $0x0  }
0x16: {  	s3 =	sld [smem:$0x3FDB];
	s0 =	simm.s32 @p2 $0x1  }
0x17: {  	s4 =	simm.s32 $0x1BF5;
	[smem:$0x3FBB] =	sst s0  }
0x18: {  	s0 =	sld [smem:$0x3F9E];
	_ =	swait.ge [sflag:s4], $0x0  }
0x19: {  	s7 =	sld [smem:$0x3F9F]  }
0x1a: {  	s8 =	sadd.s32 $0xFFFFE003, lr  }
0x1b: {  	s9 =	sadd.s32 $0xFFFFFEF7, lr;
	s5 =	simm.s32 $0xFFFFFFFF;
	p2 =	slt.u32 s8, $0xFFFFF086  }
0x1c: {  	p1 =	slt.u32 s9, $0xF7A;
	s5 =	simm.s32 @!p2 $0x0  }
0x1d: {  	s5 =	simm.s32 @p1 $0x1;
	p0 =	seq.s32 s7, s2  }
0x1e: {  	s7 =	smul.u32 @!p0 $0xF7A, s2;
	p2 =	seq.s32 @!p0 s5, $0x0  }
0x1f: {  	s9 =	smul.u32 $0xF7A, s1;
	s8 =	simm.s32 @!p0 $0x1BF5;
	p2 =	por !p2, p0  }
0x20: {  	[sflag:s8] =	ssyncset.s32 @!p0 $0xFFFFF086;
	s6 =	sadd.s32 @!p0 s3, s7;
	s7 =	simm.s32 @!p0 $0x108  }
0x21: {  	s3 =	sadd.s32 s3, s9;
	s6 =	sadd.s32 @!p0 $0x88, s6;
	s7 =	simm.s32 @p2 $0x1082  }
0x22: {  	[simem:s7], [sflag:s8] =	dma.local @!p0 [hbm:s6], $0xF7A  }
0x23: {  	s9 =	sor.u32 $0xD0000000, s2;
	s6 =	simm.s32 $0x108;
	_ =	swait.ge @!p0 [sflag:s8], $0x0  }
0x24: {  	s3 =	sadd.s32 $0x88, s3;
	s6 =	simm.s32 @!p1 $0x1082;
	[sflag:s4] =	ssyncset.s32 $0xFFFFF086  }
0x25: {  	[simem:s6], [sflag:s4] =	dma.local [hbm:s3], $0xF7A  }
0x26: {  	[smem:$0x3F9F] =	sst s1;
	(tag) =	ssettag s2;
	_ =	strace s9  }
0x27: {  	s1 =	sld [smem:$0x3FAF]  }
0x28: {  	s2 =	sld [smem:$0x3FB0]  }
0x29: {  	s4 =	sld [smem:$0x3FB2]  }
0x2a: {  	p0 =	seq.s32 s5, $0x0;
	s5 =	sld [smem:$0x3FB3]  }
0x2b: {  	s6 =	sld [smem:$0x3FB4]  }
0x2c: {  	s7 =	sld [smem:$0x3FB5]  }
0x2d: {  	s3 =	simm.s32 $0x108;
	s8 =	sld [smem:$0x3FB6]  }
0x2e: {  	s3 =	simm.s32 @!p0 $0x1082;
	s9 =	sld [smem:$0x3FB7]  }
0x2f: {  	lr =	sadd.s32 s0, s3;
	s0 =	sld [smem:$0x3FAE]  }
0x30: {  	s3 =	sld [smem:$0x3FB1]  }
0x31: {  	[smem:$0x3FBA] =	sst s10  }
0x32: {  	s10 =	sld [smem:$0x3FB8];
	_ =	sdelay $0x3  }
0x33: {  	p0 =	seq.s32 s10, $0x1;
	s10 =	sld [smem:$0x3FBA];
	_ =	sdelay $0x3  }
0x34: {  	[smem:$0x3FBA] =	sst s10  }
0x35: {  	s10 =	sld [smem:$0x3FB9];
	_ =	sdelay $0x3  }
0x36: {  	p1 =	seq.s32 s10, $0x1;
	s10 =	sld [smem:$0x3FBA];
	_ =	sdelay $0x3  }
0x37: {  	[smem:$0x3FBA] =	sst s10  }
0x38: {  	s10 =	sld [smem:$0x3FBB]  }
0x39: {  	_ = 	snop;
	(pc) =	sbr.ind lr, $3  }
0x3a: {  	_ = 	snop  }
0x3b: {  	_ = 	snop  }
0x3c: {  	p2 =	seq.s32 s10, $0x1;
	s10 =	sld [smem:$0x3FBA]  }
0x3d: {  	_ =	shalt  }
0x3e: {  	_ =	shalt  }
0x3f: {  	_ =	shalt  }
0x40: {  	_ =	shalt  }
0x41: {  	_ =	shalt  }
0x42: {  	_ =	shalt  }
0x43: {  	_ =	shalt  }
0x44: {  	_ =	shalt  }
0x45: {  	_ =	shalt  }
0x46: {  	_ =	shalt  }
0x47: {  	_ =	shalt  }
0x48: {  	_ =	shalt  }
0x49: {  	_ =	shalt  }
0x4a: {  	_ =	shalt  }
0x4b: {  	_ =	shalt  }
0x4c: {  	_ =	shalt  }
0x4d: {  	_ =	shalt  }
0x4e: {  	_ =	shalt  }
0x4f: {  	_ =	shalt  }
0x50: {  	_ =	shalt  }
0x51: {  	_ =	shalt  }
0x52: {  	_ =	shalt  }
0x53: {  	_ =	shalt  }
0x54: {  	_ =	shalt  }
0x55: {  	_ =	shalt  }
0x56: {  	_ =	shalt  }
0x57: {  	_ =	shalt  }
0x58: {  	_ =	shalt  }
0x59: {  	_ =	shalt  }
0x5a: {  	_ =	shalt  }
0x5b: {  	_ =	shalt  }
0x5c: {  	_ =	shalt  }
0x5d: {  	_ =	shalt  }
0x5e: {  	_ =	shalt  }
0x5f: {  	_ =	shalt  }
0x60: {  	_ =	shalt  }
0x61: {  	_ =	shalt  }
0x62: {  	_ =	shalt  }
0x63: {  	_ =	shalt  }
0x64: {  	_ =	shalt  }
0x65: {  	_ =	shalt  }
0x66: {  	_ =	shalt  }
0x67: {  	_ =	shalt  }
0x68: {  	_ =	shalt  }
0x69: {  	_ =	shalt  }
0x6a: {  	_ =	shalt  }
0x6b: {  	_ =	shalt  }
0x6c: {  	_ =	shalt  }
0x6d: {  	_ =	shalt  }
0x6e: {  	_ =	shalt  }
0x6f: {  	_ =	shalt  }
0x70: {  	_ =	shalt  }
0x71: {  	_ =	shalt  }
0x72: {  	_ =	shalt  }
0x73: {  	_ =	shalt  }
0x74: {  	_ =	shalt  }
0x75: {  	_ =	shalt  }
0x76: {  	_ =	shalt  }
0x77: {  	_ =	shalt  }
0x78: {  	_ =	shalt  }
0x79: {  	_ =	shalt  }
0x7a: {  	_ =	shalt  }
0x7b: {  	_ =	shalt  }
0x7c: {  	_ =	shalt  }
0x7d: {  	_ =	shalt  }
0x7e: {  	_ =	shalt  }
0x7f: {  	_ =	shalt  }
0x80: {  	_ =	shalt  }
0x81: {  	_ =	shalt  }
0x82: {  	_ =	shalt  }
0x83: {  	_ =	shalt  }
0x84: {  	_ =	shalt  }
0x85: {  	_ =	shalt  }
0x86: {  	_ =	shalt  }
0x87: {  	_ =	shalt  }
.Lfunc_end0:
.L_simem_size_0:
called_computation_lowered:
.L_overlay_start_0:
0x88: {  	s2 =	sld [smem:$0x3FD9]  }
0x89: {  	s3 =	sld [smem:$0x3FFE];
	_ =	sdelay $0x1  }
0x8a: {  	s1 =	srdreg.scid  }
0x8b: {  	s0 =	sand.u32 $0x1, s1  }
0x8c: {  	s18 =	sshll.u32 s0, $0xA;
	s2 =	sadd.s32 s3, s2  }
0x8d: {  	s2 =	sadd.s32 s2, s18  }
0x8e: {  	[smem:$0x3FC6] =	sst s2  }
0x8f: {  	_ = 	snop  }
0x90: {  	s2 =	sld [smem:$0x3FC9]  }
0x91: {  	s19 =	sld [smem:$0x3FC8]  }
0x92: {  	s4 =	sld [smem:$0x3FD0];
	(tm) =	ssettm $0x1  }
0x93: {  	s5 =	sld [smem:$0x3FFB];
	_ =	sdelay $0x3  }
0x94: {  	_ =	strace s5  }
0x95: {  	s5 =	sld [smem:$0x3FFC];
	_ =	sdelay $0x3  }
0x96: {  	_ =	strace s5  }
0x97: {  	s5 =	sld [smem:$0x3FFD];
	_ =	sdelay $0x3  }
0x98: {  	_ =	strace s5  }
0x99: {  	_ =	strace $0x8FFFFFFF  }
0x9a: {  	s20 =	sld [smem:$0x3FDB];
	_ =	sdelay $0x1  }
0x9b: {  	s6 =	simm.s32 $_scs_section_size  }
0x9c: {  	s7 =	simm.s32 $_size__tile_overlayer_lowered;
	s8 =	simm.s32 $_tile_overlayer_lowered  }
0x9d: {  	s23 =	simm.s32 $0x1BFF;
	s22 =	sshll.u32 s8, $0x1;
	s5 =	sadd.s32 s6, s20  }
0x9e: {  	s9 =	simm.s32 $0x0;
	s21 =	sshll.u32 s7, $0x1;
	s7 =	sadd.s32 s22, s5  }
0x9f: {  	[timem:s9], [sflag:s23] =	dma.local [hbm:s7], s21  }
0xa0: {  	_ =	swait.ge [sflag:s23], s21  }
0xa1: {  	s6 =	ssub.s32 $0x0, s21;
	[sflag:s23] =	ssyncset.done $0x0  }
0xa2: {  	[sflag:s23] =	ssyncadd.s32 s6;
	_ =	sdelay $0x1  }
0xa3: {  	s24 =	simm.s32 $0x1B8B  }
0xa4: {  	_ =	swait.ge [sflag:s24], $0x1  }
0xa5: {  	[sflag:s24] =	ssyncset.done $0x0  }
0xa6: {  	s25 =	simm.s32 $0x1B8E;
	[sflag:s24] =	ssyncadd.s32 $0xFFFFFFFF  }
0xa7: {  	s26 =	simm.s32 $execute0_lowered;
	[smem:$0x3FD2] =	sst s25  }
0xa8: {  	s6 =	sshll.u32 s26, $0x1;
	_ =	strace $0x80000046;
	[dreg:$0x1] =	wrdreg $0xFFFFFFFF  }
0xa9: {  	s28 =	simm.s32 $_size_execute0_lowered;
	s5 =	sadd.s32 s5, s6;
	[dreg:$0x0] =	wrdreg $0x0  }
0xaa: {  	s6 =	sshll.u32 s28, $0x1;
	[dreg:$0x2] =	wrdreg s5  }
0xab: {  	[dreg:$0x3] =	wrdreg s6  }
0xac: {  	[dreg:$0x4] =	wrdreg $0xC0  }
0xad: {  	_ =	task [dreg:s9], $0x5FFFF  }
0xae: {  	[dreg:$0x1] =	wrdreg $0xFFFFFFFF  }
0xaf: {  	[dreg:$0x0] =	wrdreg $0x60  }
0xb0: {  	[dreg:$0x2] =	wrdreg s2  }
0xb1: {  	[dreg:$0x3] =	wrdreg s19  }
0xb2: {  	[dreg:$0x4] =	wrdreg s4  }
0xb3: {  	[dreg:$0x5] =	wrdreg $0x9  }
0xb4: {  	_ =	task.clear_ibuf [dreg:s9], $0x6FFFF;
	_ =	strace $0x90000046  }
0xb5: {  	s29 =	simm.s32 $0x9;
	_ =	strace $0x80000048  }
0xb6: {  	_ =	swait.ge [sflag:s29], $0x1  }
0xb7: {  	[sflag:s29] =	ssyncadd.s32 $0xFFFFFFFF  }
0xb8: {  	_ =	strace $0x90000048  }
0xb9: {  	_ =	sfence  }
0xba: {  	s30 =	sld [smem:$0x0];
	_ =	sdelay $0x2  }
0xbb: {  	s31 =	sshll.u32 s1, $0xD;
	s1 =	sshrl.u32 s1, $0x2  }
0xbc: {  	s3 =	sand.u32 $0x4000, s31;
	s1 =	sadd.s32 s1, s30  }
0xbd: {  	s0 =	sor.u32 s3, s0;
	s1 =	sshll.u32 s1, $0x11  }
0xbe: {  	s0 =	sor.u32 s1, s0  }
0xbf: {  	s0 =	sadd.s32 $0x8F2B, s0  }
0xc0: {  	[sflag:s0] =	ssyncadd.remote.s32 $0x1  }
0xc1: {  	_ =	sfence.sel $0xFFFF  }
0xc2: {  	[dreg:$0x0] =	wrdreg $0xFFFFFFFF;
	(pc) =	sbr.abs _section_cstart, $3  }
0xc3: {  	[dreg:$0x1] =	wrdreg $0xFFFFFFFF  }
0xc4: {  	_ =	task.clear_ibuf [dreg:s9], $0x2FFFF;
	_ =	strace $0x9FFFFFFF  }
0xc5: {  	(tm) =	ssettm $0x7FFFFFFF  }
tec
execute0_lowered:
.L_overlay_start_1:
0x0: {  	(tag) =	ssettag $0x1  }
0x1: {  	s0 =	rddreg [dreg:$0x0]  }
0x2: {  	s2 =	rddreg [dreg:$0x1];
	s1 =	srdreg.scid  }
0x3: {  	s5 =	rddreg [dreg:$0x2];
	s8 =	stileid.u32  }
0x4: {  	s3 =	simm.s32 $0x0;
	s9 =	simm.s32 $0x0;
	s1 =	sand.u32 $0x1, s1  }
0x5: {  	s4 =	sshll.u32 s8, $0x8;
	[smem:$0x7FF] =	sst s3;
	s26 =	sshll.u32 s8, $0xC  }
0x6: {  	s8 =	simm.s32 $0x2;
	s6 =	sshll.u32 s1, $0x7;
	s7 =	ssub.s32 $0x2, s1  }
0x7: {  	_ =	strace $0x80000047;
	s5 =	sadd.s32 s26, s5;
	s4 =	sor.u32 s6, s4  }
0x8: {  	s1 =	sshll.u32 s1, $0xB;
	s13 =	sshrl.u32 s7, $0x1;
	s4 =	sadd.s32 s0, s4  }
0x9: {  	s11 =	sadd.s32 s1, s5;
	s1 =	simm.s32 $0x80;
	s16 =	sadd.s32 $0x10, s4  }
0xa: {  	s5 =	simm.s32 $0x100;
	s17 =	sadd.s32 $0x20, s4;
	[dreg:$0x4] =	wrdreg s16  }
0xb: {  	s6 =	simm.s32 $0x3;
	s18 =	sadd.s32 $0x30, s4;
	[dreg:$0x5] =	wrdreg s17  }
0xc: {  	s14 =	ssub.s32 s7, s13;
	s19 =	sadd.s32 $0x40, s4;
	[dreg:$0x6] =	wrdreg s18  }
0xd: {  	s7 =	simm.s32 $0x1;
	s20 =	sadd.s32 $0x50, s4;
	[dreg:$0x7] =	wrdreg s19  }
0xe: {  	s21 =	sadd.s32 $0x60, s4;
	s22 =	sadd.s32 $0x70, s4;
	[dreg:$0x8] =	wrdreg s20  }
0xf: {  	s23 =	sadd.s32 $0x1000, s4;
	s24 =	sadd.s32 $0x1010, s4;
	[dreg:$0x9] =	wrdreg s21  }
0x10: {  	s25 =	sadd.s32 $0x1020, s4;
	s15 =	sadd.s32 $0x1030, s4;
	[dreg:$0xa] =	wrdreg s22  }
0x11: {  	s26 =	sadd.s32 $0x2040, s4;
	s28 =	sadd.s32 $0x2050, s4;
	[dreg:$0xb] =	wrdreg s23  }
0x12: {  	s29 =	sadd.s32 $0x2060, s4;
	s30 =	sadd.s32 $0x2070, s4;
	[dreg:$0xc] =	wrdreg s24  }
0x13: {  	s31 =	sadd.s32 $0x3000, s4;
	s0 =	sadd.s32 $0x3010, s4;
	[dreg:$0xd] =	wrdreg s25  }
0x14: {  	s16 =	sadd.s32 $0x1040, s4;
	s17 =	sadd.s32 $0x1050, s4;
	s18 =	sadd.s32 $0x1060, s4  }
0x15: {  	s19 =	sadd.s32 $0x1070, s4;
	s20 =	sadd.s32 $0x2000, s4;
	s21 =	sadd.s32 $0x2010, s4  }
0x16: {  	s22 =	sadd.s32 $0x2020, s4;
	s24 =	sadd.s32 $0x2030, s4;
	s25 =	smax.u32 s14, $0x1  }
.LBB2_1:
0x17: {  	[tilespmem:s3], [sflag:$0x3] =	stream.linear.gather [hbm4b:s4+s3], $0x80, $0x38;
	[tilespmem:$0x19000] =	vst v63  }
0x18: {  	s10 =	rddreg [dreg:$0x4]  }
0x19: {  	[tilespmem:s1], [sflag:$0x3] =	stream.linear.gather [hbm4b:s10+s3], $0x80, $0x38;
	[tilespmem:$0x19000] =	vst v63  }
0x1a: {  	s14 =	rddreg [dreg:$0x5]  }
0x1b: {  	[tilespmem:s5], [sflag:$0x3] =	stream.linear.gather [hbm4b:s14+s3], $0x80, $0x38;
	[tilespmem:$0x19000] =	vst v63  }
0x1c: {  	s12 =	rddreg [dreg:$0x6];
	s10 =	simm.s32 $0x180  }
0x1d: {  	[tilespmem:s10], [sflag:$0x3] =	stream.linear.gather [hbm4b:s12+s3], $0x80, $0x38;
	[tilespmem:$0x19000] =	vst v63  }
0x1e: {  	s23 =	rddreg [dreg:$0x7];
	s13 =	simm.s32 $0x200  }
0x1f: {  	[tilespmem:s13], [sflag:$0x3] =	stream.linear.gather [hbm4b:s23+s3], $0x80, $0x38;
	[tilespmem:$0x19000] =	vst v63  }
0x20: {  	s14 =	rddreg [dreg:$0x8];
	s23 =	simm.s32 $0x280  }
0x21: {  	[tilespmem:s23], [sflag:$0x3] =	stream.linear.gather [hbm4b:s14+s3], $0x80, $0x38;
	[tilespmem:$0x19000] =	vst v63  }
0x22: {  	s14 =	rddreg [dreg:$0x9];
	s23 =	simm.s32 $0x300  }
0x23: {  	[tilespmem:s23], [sflag:$0x3] =	stream.linear.gather [hbm4b:s14+s3], $0x80, $0x38;
	[tilespmem:$0x19000] =	vst v63  }
0x24: {  	s14 =	rddreg [dreg:$0xa];
	s23 =	simm.s32 $0x380  }
0x25: {  	[tilespmem:s23], [sflag:$0x3] =	stream.linear.gather [hbm4b:s14+s3], $0x80, $0x38;
	[tilespmem:$0x19000] =	vst v63  }
0x26: {  	s14 =	rddreg [dreg:$0xb];
	s23 =	simm.s32 $0x400  }
0x27: {  	[tilespmem:s23], [sflag:$0x3] =	stream.linear.gather [hbm4b:s14+s3], $0x80, $0x38;
	[tilespmem:$0x19000] =	vst v63  }
0x28: {  	s14 =	rddreg [dreg:$0xc];
	s23 =	simm.s32 $0x480  }
0x29: {  	[tilespmem:s23], [sflag:$0x3] =	stream.linear.gather [hbm4b:s14+s3], $0x80, $0x38;
	[tilespmem:$0x19000] =	vst v63  }
0x2a: {  	s14 =	rddreg [dreg:$0xd];
	s23 =	simm.s32 $0x500  }
0x2b: {  	[tilespmem:s23], [sflag:$0x3] =	stream.linear.gather [hbm4b:s14+s3], $0x80, $0x38;
	[tilespmem:$0x19000] =	vst v63  }
0x2c: {  	s13 =	simm.s32 $0x580  }
0x2d: {  	[tilespmem:s13], [sflag:$0x3] =	stream.linear.gather [hbm4b:s15+s3], $0x80, $0x38;
	[tilespmem:$0x19000] =	vst v63  }
0x2e: {  	s14 =	simm.s32 $0x600  }
0x2f: {  	[tilespmem:s14], [sflag:$0x3] =	stream.linear.gather [hbm4b:s16+s3], $0x80, $0x38;
	[tilespmem:$0x19000] =	vst v63  }
0x30: {  	s23 =	simm.s32 $0x680  }
0x31: {  	[tilespmem:s23], [sflag:$0x3] =	stream.linear.gather [hbm4b:s17+s3], $0x80, $0x38;
	[tilespmem:$0x19000] =	vst v63  }
0x32: {  	s13 =	simm.s32 $0x700  }
0x33: {  	[tilespmem:s13], [sflag:$0x3] =	stream.linear.gather [hbm4b:s18+s3], $0x80, $0x38;
	[tilespmem:$0x19000] =	vst v63  }
0x34: {  	s14 =	simm.s32 $0x780  }
0x35: {  	[tilespmem:s14], [sflag:$0x3] =	stream.linear.gather [hbm4b:s19+s3], $0x80, $0x38;
	[tilespmem:$0x19000] =	vst v63  }
0x36: {  	s23 =	simm.s32 $0x800  }
0x37: {  	[tilespmem:s23], [sflag:$0x3] =	stream.linear.gather [hbm4b:s20+s3], $0x80, $0x38;
	[tilespmem:$0x19000] =	vst v63  }
0x38: {  	s13 =	simm.s32 $0x880  }
0x39: {  	[tilespmem:s13], [sflag:$0x3] =	stream.linear.gather [hbm4b:s21+s3], $0x80, $0x38;
	[tilespmem:$0x19000] =	vst v63  }
0x3a: {  	s14 =	simm.s32 $0x900  }
0x3b: {  	[tilespmem:s14], [sflag:$0x3] =	stream.linear.gather [hbm4b:s22+s3], $0x80, $0x38;
	[tilespmem:$0x19000] =	vst v63  }
0x3c: {  	s23 =	simm.s32 $0x980  }
0x3d: {  	[tilespmem:s23], [sflag:$0x3] =	stream.linear.gather [hbm4b:s24+s3], $0x80, $0x38;
	[tilespmem:$0x19000] =	vst v63  }
0x3e: {  	s13 =	simm.s32 $0xA00  }
0x3f: {  	[tilespmem:s13], [sflag:$0x3] =	stream.linear.gather [hbm4b:s26+s3], $0x80, $0x38;
	[tilespmem:$0x19000] =	vst v63  }
0x40: {  	s14 =	simm.s32 $0xA80  }
0x41: {  	[tilespmem:s14], [sflag:$0x3] =	stream.linear.gather [hbm4b:s28+s3], $0x80, $0x38;
	[tilespmem:$0x19000] =	vst v63  }
0x42: {  	s23 =	simm.s32 $0xB00  }
0x43: {  	[tilespmem:s23], [sflag:$0x3] =	stream.linear.gather [hbm4b:s29+s3], $0x80, $0x38;
	[tilespmem:$0x19000] =	vst v63  }
0x44: {  	s13 =	simm.s32 $0xB80  }
0x45: {  	[tilespmem:s13], [sflag:$0x3] =	stream.linear.gather [hbm4b:s30+s3], $0x80, $0x38;
	[tilespmem:$0x19000] =	vst v63  }
0x46: {  	s14 =	simm.s32 $0xC00  }
0x47: {  	[tilespmem:s14], [sflag:$0x3] =	stream.linear.gather [hbm4b:s31+s3], $0x80, $0x38;
	[tilespmem:$0x19000] =	vst v63  }
0x48: {  	s23 =	simm.s32 $0xC80  }
0x49: {  	[tilespmem:s23], [sflag:$0x3] =	stream.linear.gather [hbm4b:s0+s3], $0x80, $0x38;
	[tilespmem:$0x19000] =	vst v63  }
0x4a: {  	_ =	swait.ge [sflag:s6], $0x80  }
0x4b: {  	[sflag:s6] =	ssyncset.done $0x0  }
0x4c: {  	[sflag:s6] =	ssyncadd.s32 $0xFFFFFF80  }
0x4d: {  	_ =	swait.ge [sflag:s6], $0x80  }
0x4e: {  	[sflag:s6] =	ssyncset.done $0x0  }
0x4f: {  	[sflag:s6] =	ssyncadd.s32 $0xFFFFFF80  }
0x50: {  	_ =	swait.ge [sflag:s6], $0x80  }
0x51: {  	[sflag:s6] =	ssyncset.done $0x0  }
0x52: {  	[sflag:s6] =	ssyncadd.s32 $0xFFFFFF80  }
0x53: {  	_ =	swait.ge [sflag:s6], $0x80  }
0x54: {  	[sflag:s6] =	ssyncset.done $0x0  }
0x55: {  	[sflag:s6] =	ssyncadd.s32 $0xFFFFFF80  }
0x56: {  	_ =	swait.ge [sflag:s6], $0x80  }
0x57: {  	[sflag:s6] =	ssyncset.done $0x0  }
0x58: {  	[sflag:s6] =	ssyncadd.s32 $0xFFFFFF80  }
0x59: {  	_ =	swait.ge [sflag:s6], $0x80  }
0x5a: {  	[sflag:s6] =	ssyncset.done $0x0  }
0x5b: {  	[sflag:s6] =	ssyncadd.s32 $0xFFFFFF80  }
0x5c: {  	_ =	swait.ge [sflag:s6], $0x80  }
0x5d: {  	[sflag:s6] =	ssyncset.done $0x0  }
0x5e: {  	[sflag:s6] =	ssyncadd.s32 $0xFFFFFF80  }
0x5f: {  	_ =	swait.ge [sflag:s6], $0x80  }
0x60: {  	[sflag:s6] =	ssyncset.done $0x0  }
0x61: {  	[sflag:s6] =	ssyncadd.s32 $0xFFFFFF80  }
0x62: {  	_ =	swait.ge [sflag:s6], $0x80  }
0x63: {  	[sflag:s6] =	ssyncset.done $0x0  }
0x64: {  	[sflag:s6] =	ssyncadd.s32 $0xFFFFFF80  }
0x65: {  	_ =	swait.ge [sflag:s6], $0x80  }
0x66: {  	[sflag:s6] =	ssyncset.done $0x0  }
0x67: {  	[sflag:s6] =	ssyncadd.s32 $0xFFFFFF80  }
0x68: {  	_ =	swait.ge [sflag:s6], $0x80  }
0x69: {  	[sflag:s6] =	ssyncset.done $0x0  }
0x6a: {  	[sflag:s6] =	ssyncadd.s32 $0xFFFFFF80  }
0x6b: {  	_ =	swait.ge [sflag:s6], $0x80  }
0x6c: {  	[sflag:s6] =	ssyncset.done $0x0  }
0x6d: {  	[sflag:s6] =	ssyncadd.s32 $0xFFFFFF80  }
0x6e: {  	_ =	swait.ge [sflag:s6], $0x80  }
0x6f: {  	[sflag:s6] =	ssyncset.done $0x0  }
0x70: {  	[sflag:s6] =	ssyncadd.s32 $0xFFFFFF80  }
0x71: {  	_ =	swait.ge [sflag:s6], $0x80  }
0x72: {  	[sflag:s6] =	ssyncset.done $0x0  }
0x73: {  	[sflag:s6] =	ssyncadd.s32 $0xFFFFFF80  }
0x74: {  	_ =	swait.ge [sflag:s6], $0x80  }
0x75: {  	[sflag:s6] =	ssyncset.done $0x0  }
0x76: {  	[sflag:s6] =	ssyncadd.s32 $0xFFFFFF80  }
0x77: {  	_ =	swait.ge [sflag:s6], $0x80  }
0x78: {  	[sflag:s6] =	ssyncset.done $0x0  }
0x79: {  	[sflag:s6] =	ssyncadd.s32 $0xFFFFFF80  }
0x7a: {  	_ =	swait.ge [sflag:s6], $0x80  }
0x7b: {  	[sflag:s6] =	ssyncset.done $0x0  }
0x7c: {  	[sflag:s6] =	ssyncadd.s32 $0xFFFFFF80  }
0x7d: {  	_ =	swait.ge [sflag:s6], $0x80  }
0x7e: {  	[sflag:s6] =	ssyncset.done $0x0  }
0x7f: {  	[sflag:s6] =	ssyncadd.s32 $0xFFFFFF80  }
0x80: {  	_ =	swait.ge [sflag:s6], $0x80  }
0x81: {  	[sflag:s6] =	ssyncset.done $0x0  }
0x82: {  	[sflag:s6] =	ssyncadd.s32 $0xFFFFFF80  }
0x83: {  	_ =	swait.ge [sflag:s6], $0x80  }
0x84: {  	[sflag:s6] =	ssyncset.done $0x0  }
0x85: {  	[sflag:s6] =	ssyncadd.s32 $0xFFFFFF80  }
0x86: {  	_ =	swait.ge [sflag:s6], $0x80  }
0x87: {  	[sflag:s6] =	ssyncset.done $0x0  }
0x88: {  	[sflag:s6] =	ssyncadd.s32 $0xFFFFFF80  }
0x89: {  	_ =	swait.ge [sflag:s6], $0x80  }
0x8a: {  	[sflag:s6] =	ssyncset.done $0x0  }
0x8b: {  	[sflag:s6] =	ssyncadd.s32 $0xFFFFFF80  }
0x8c: {  	_ =	swait.ge [sflag:s6], $0x80  }
0x8d: {  	[sflag:s6] =	ssyncset.done $0x0  }
0x8e: {  	[sflag:s6] =	ssyncadd.s32 $0xFFFFFF80  }
0x8f: {  	_ =	swait.ge [sflag:s6], $0x80  }
0x90: {  	[sflag:s6] =	ssyncset.done $0x0  }
0x91: {  	[sflag:s6] =	ssyncadd.s32 $0xFFFFFF80  }
0x92: {  	_ =	swait.ge [sflag:s6], $0x80  }
0x93: {  	[sflag:s6] =	ssyncset.done $0x0  }
0x94: {  	[sflag:s6] =	ssyncadd.s32 $0xFFFFFF80  }
0x95: {  	_ =	swait.ge [sflag:s6], $0x80  }
0x96: {  	[sflag:s6] =	ssyncset.done $0x0  }
0x97: {  	s13 =	simm.s32 $0x1000;
	[sflag:s6] =	ssyncadd.s32 $0xFFFFFF80  }
0x98: {  	[tilespmem:s13], [sflag:$0x1] =	stream.indirect.gather [hbm4b:s2+s1], $0x80, s3, s1, $0xb8;
	[tilespmem:$0x19000] =	vst v63  }
0x99: {  	s14 =	simm.s32 $0x5000  }
0x9a: {  	[tilespmem:s14], [sflag:$0x1] =	stream.indirect.gather [hbm4b:s2+s1], $0x80, s1, s1, $0xb8;
	[tilespmem:$0x19000] =	vst v63  }
0x9b: {  	s23 =	simm.s32 $0x9000  }
0x9c: {  	[tilespmem:s23], [sflag:$0x1] =	stream.indirect.gather [hbm4b:s2+s1], $0x80, s5, s1, $0xb8;
	[tilespmem:$0x19000] =	vst v63  }
0x9d: {  	s12 =	simm.s32 $0x0;
	s23 =	smov.u32 s11  }
.LBB2_2:
0x9e: {  	s13 =	smul.u32 $0xAB, s12;
	_ =	sdelay $0x1  }
0x9f: {  	s13 =	sshrl.u32 s13, $0xA  }
0xa0: {  	s13 =	sand.u32 $0x3F, s13  }
0xa1: {  	s13 =	smul.u32 $0x6, s13;
	_ =	sdelay $0x1  }
0xa2: {  	s13 =	ssub.s32 s12, s13  }
0xa3: {  	_ =	swait.ge [sflag:s7], $0x4000;
	s13 =	sand.u32 $0xFF, s13  }
0xa4: {  	[sflag:s7] =	ssyncset.done $0x0;
	s13 =	sshll.u32 s13, $0xE  }
0xa5: {  	p0 =	slt.u32 s12, $0x3;
	[sflag:s7] =	ssyncadd.s32 $0xFFFFC000;
	s13 =	sor.u32 $0x1000, s13  }
0xa6: {  	[hbm4b:s23+s3] =	stream.linear.scatter [tilespmem:s13], [sflag:$0x2], $0x4000, $0x38;
	[tilespmem:$0x19000] =	vst v63  }
0xa7: {  	s13 =	simm.s32 @!p0 $0x2  }
0xa8: {  	p1 =	sgt.u32 @!p0 s12, $0x16;
	_ =	swait.ge @!p0 [sflag:s13], $0x4000  }
0xa9: {  	p1 =	por p0, !p1;
	[sflag:s13] =	ssyncset.done @!p0 $0x0  }
0xaa: {  	[sflag:s13] =	ssyncadd.s32 @!p0 $0xFFFFC000;
	s13 =	sadd.s32 @p1 $0x3, s12  }
0xab: {  	s14 =	smul.u32 @p1 $0xAB, s13;
	_ =	sdelay $0x1  }
0xac: {  	s14 =	sshrl.u32 @p1 s14, $0xA  }
0xad: {  	s14 =	sand.u32 @p1 $0x3F, s14  }
0xae: {  	s14 =	smul.u32 @p1 $0x6, s14  }
0xaf: {  	s12 =	sadd.s32 $0x1, s12  }
0xb0: {  	p0 =	sne.s32 s12, $0x1A;
	s13 =	ssub.s32 @p1 s13, s14  }
.Ltmp0:
0xb1: {  	s13 =	sand.u32 @p1 $0xFF, s13;
	(pc) =	sbr.rel @p0 .LBB2_2-.Ltmp0, $4  }
0xb2: {  	s13 =	sshll.u32 @p1 s13, $0xE  }
0xb3: {  	s13 =	sor.u32 @p1 $0x1000, s13  }
0xb4: {  	[tilespmem:s13], [sflag:$0x1] =	stream.indirect.gather @p1 [hbm4b:s2+s1], $0x80, s10, s1, $0xb8;
	[tilespmem:$0x19000] =	vst v63  }
0xb5: {  	s23 =	sadd.s32 $0x10000, s23;
	s10 =	sadd.s32 $0x80, s10  }
0xb6: {  	_ =	swait.ge [sflag:s8], $0x4000  }
0xb7: {  	[sflag:s8] =	ssyncset.done $0x0  }
0xb8: {  	s9 =	sadd.s32 $0x1, s9;
	[sflag:s8] =	ssyncadd.s32 $0xFFFFC000  }
0xb9: {  	p0 =	sne.s32 s9, s25;
	_ =	swait.ge [sflag:s8], $0x4000  }
.Ltmp1:
0xba: {  	[sflag:s8] =	ssyncset.done $0x0;
	(pc) =	sbr.rel @p0 .LBB2_1-.Ltmp1, $4  }
0xbb: {  	[sflag:s8] =	ssyncadd.s32 $0xFFFFC000  }
0xbc: {  	_ =	swait.ge [sflag:s8], $0x4000  }
0xbd: {  	[sflag:s8] =	ssyncset.done $0x0  }
0xbe: {  	[sflag:s8] =	ssyncadd.s32 $0xFFFFC000  }
0xbf: {  	_ =	sfence.sel $0x180000  }
0xc0: {  	[bflag:$0x0] =	sbarrier.arrive $0xFFFF  }
0xc1: {  	_ =	strace $0x90000047  }
0xc2: {  	s0 =	stileid.u32;
	[bflag:$0x2] =	sbarrier.arrive $0xFFFF  }
0xc3: {  	p0 =	sne.s32 s0, $0x0;
	s0 =	rddreg [dreg:$0x3]  }
0xc4: {  	s0 =	sadd.s32 @!p0 $0x100000, s0  }
0xc5: {  	[sflag:s0] =	ssyncadd.tile.s32 @!p0 $0x1;
	_ =	shalt  }
.Lfunc_end2:
_tile_overlayer_lowered:
.L_overlay_start_2:
0xc6: {  	(tag) =	ssettag $0x2  }
0xc7: {  	s0 =	rddreg [dreg:$0x0];
	s2 =	stileid.u32  }
0xc8: {  	s1 =	rddreg [dreg:$0x1];
	p0 =	sne.s32 s2, $0x0  }
0xc9: {  	s3 =	rddreg [dreg:$0x2];
	[bflag:$0x3] =	sbarrier.arrive $0xFFFF;
	s2 =	simm.s32 @!p0 $0x1C04  }
0xca: {  	[timem:s3], [sflag:s2] =	dma.local @!p0 [hbm:s0], s1  }
0xcb: {  	s0 =	simm.s32 @!p0 $0x4  }
0xcc: {  	_ =	swait.ge @!p0 [sflag:s0], s1  }
0xcd: {  	s1 =	ssub.s32 @!p0 $0x0, s1;
	[sflag:s0] =	ssyncset.done @!p0 $0x0  }
0xce: {  	[sflag:s0] =	ssyncadd.s32 @!p0 s1  }
0xcf: {  	[bflag:$0x3] =	sbarrier.arrive $0xFFFF  }
0xd0: {  	_ =	shalt  }

</sc_bundles>
